<compile_context>
chip_gen: v7x
topology: tpu7x:2x2x1
jax: 0.10.2.dev20260603
libtpu: 0.0.44.dev20260713+nightly
codegen_flags: <defaults>
</compile_context>

<pallas_src>
import functools

import jax
import jax.numpy as jnp
from jax import lax
from jax.experimental import pallas as pl
from jax.experimental.pallas import tpu as pltpu
from jax.experimental.pallas import tpu_sc as plsc

D = 32
B = 4096 * 200
NW = 32
BPW = B // NW
IPS = 128
CH = 4
C = CH * IPS
NCHUNK = BPW // C
NBUF = 5
OUTER = NCHUNK // NBUF


def _gather_sc(ids2d, table):
    mesh = plsc.VectorSubcoreMesh(core_axis_name="c", subcore_axis_name="s")

    scratch = (
        [pltpu.VMEM((CH, IPS), jnp.int32) for _ in range(NBUF)]
        + [pltpu.VMEM((C, D), jnp.float32) for _ in range(NBUF)]
        + [pltpu.SemaphoreType.DMA for _ in range(2 * NBUF)]
    )

    @functools.partial(
        pl.kernel,
        mesh=mesh,
        out_type=jax.ShapeDtypeStruct((B, D), jnp.float32),
        scratch_types=scratch,
        compiler_params=pltpu.CompilerParams(use_tc_tiling_on_sc=False),
    )
    def k(ids_hbm, table_hbm, out_hbm, *scr):
        idx = scr[:NBUF]
        rows = scr[NBUF:2 * NBUF]
        sem_g = scr[2 * NBUF:3 * NBUF]
        sem_o = scr[3 * NBUF:]

        wid = lax.axis_index("s") * 2 + lax.axis_index("c")
        idrow0 = wid * (BPW // IPS)
        out0 = wid * BPW

        def load_idx(b, c):
            pltpu.sync_copy(ids_hbm.at[pl.ds(idrow0 + c * CH, CH)], idx[b])

        def fire_gathers(b):
            for j in range(CH):
                pltpu.async_copy(
                    table_hbm.at[idx[b].at[j]],
                    rows[b].at[pl.ds(j * IPS, IPS)],
                    sem_g[b],
                )

        def wait_gathers(b):
            pltpu.make_async_copy(
                out_hbm.at[pl.ds(0, C)], rows[b], sem_g[b]
            ).wait()

        def fire_out(b, c):
            pltpu.async_copy(
                rows[b], out_hbm.at[pl.ds(out0 + c * C, C)], sem_o[b]
            )

        def wait_out(b):
            pltpu.make_async_copy(
                rows[b], out_hbm.at[pl.ds(0, C)], sem_o[b]
            ).wait()

        for b in range(NBUF):
            load_idx(b, b)
            fire_gathers(b)

        def body(i, carry):
            g = i * NBUF
            for b in range(NBUF):
                c = g + b
                wait_gathers(b)
                fire_out(b, c)
                load_idx(b, c + NBUF)
                wait_out(b)
                fire_gathers(b)
            return carry

        lax.fori_loop(0, OUTER - 1, body, 0)

        for b in range(NBUF):
            wait_gathers(b)
            fire_out(b, (OUTER - 1) * NBUF + b)
        for b in range(NBUF):
            wait_out(b)

    return k(ids2d, table)


def kernel(item_ids, table):
    ids2d = item_ids.astype(jnp.int32).reshape(B // IPS, IPS)
    out = _gather_sc(ids2d, table)
    return out.reshape(item_ids.shape[0], item_ids.shape[1], D)

# --- scband reference (transcript-rebuilt; emitter-appended) ---
"""Pipeline reference for scband-idemb-24060406792464 (READ-ONLY COPY).

The authoritative reference and input builder live on the scoring server;
editing this copy changes nothing except your own understanding.
"""

import jax, jax.numpy as jnp
import numpy as np

N_ITEMS = 1000000
D = 32

def setup_inputs(seed: int = 0) -> dict:
    key = jax.random.key(seed)
    k_ids, k_tab = jax.random.split(key)
    item_ids = jax.random.randint(k_ids, (4096, 200), 0, N_ITEMS + 1, dtype=jnp.int64)
    table = jax.random.normal(k_tab, (N_ITEMS + 1, D), dtype=jnp.float32)
    table = table.at[0].set(0.0)  # padding_idx=0
    return {"item_ids": item_ids, "table": table}

def reference(item_ids, table):
    # item_ids.clamp_min(0)
    ids = jnp.clip(item_ids, 0, None)
    # nn.Embedding with padding_idx=0: row 0 is zeros
    tbl = table.at[0].set(0.0)
    return jnp.take(tbl, ids, axis=0)

if __name__ == "__main__":
    import jax
    _d = setup_inputs()
    print(jax.jit(kernel)(*tuple(_d.values())))

</pallas_src>

<mosaic_0001>
#map = affine_map<(d0, d1) -> (0, 0)>
module attributes {stable_mosaic.version = 14 : i64} {
  func.func @k(%arg0: i32, %arg1: i32, %arg2: memref<6400x128xi32, #tpu.memory_space<hbm>>, %arg3: memref<1000001x32xf32, #tpu.memory_space<hbm>>, %arg4: memref<819200x32xf32, #tpu.memory_space<hbm>>, %arg5: memref<4x128xi32, #tpu.memory_space<vmem>>, %arg6: memref<4x128xi32, #tpu.memory_space<vmem>>, %arg7: memref<4x128xi32, #tpu.memory_space<vmem>>, %arg8: memref<4x128xi32, #tpu.memory_space<vmem>>, %arg9: memref<4x128xi32, #tpu.memory_space<vmem>>, %arg10: memref<512x32xf32, #tpu.memory_space<vmem>>, %arg11: memref<512x32xf32, #tpu.memory_space<vmem>>, %arg12: memref<512x32xf32, #tpu.memory_space<vmem>>, %arg13: memref<512x32xf32, #tpu.memory_space<vmem>>, %arg14: memref<512x32xf32, #tpu.memory_space<vmem>>, %arg15: memref<!tpu.dma_semaphore, #tpu.memory_space<semaphore_mem>>, %arg16: memref<!tpu.dma_semaphore, #tpu.memory_space<semaphore_mem>>, %arg17: memref<!tpu.dma_semaphore, #tpu.memory_space<semaphore_mem>>, %arg18: memref<!tpu.dma_semaphore, #tpu.memory_space<semaphore_mem>>, %arg19: memref<!tpu.dma_semaphore, #tpu.memory_space<semaphore_mem>>, %arg20: memref<!tpu.dma_semaphore, #tpu.memory_space<semaphore_mem>>, %arg21: memref<!tpu.dma_semaphore, #tpu.memory_space<semaphore_mem>>, %arg22: memref<!tpu.dma_semaphore, #tpu.memory_space<semaphore_mem>>, %arg23: memref<!tpu.dma_semaphore, #tpu.memory_space<semaphore_mem>>, %arg24: memref<!tpu.dma_semaphore, #tpu.memory_space<semaphore_mem>>) attributes {dimension_semantics = [#tpu.dimension_semantics<core_parallel>, #tpu.dimension_semantics<subcore_parallel>], iteration_bounds = array<i64: 2, 16>, scalar_prefetch = 0 : i64, scratch_operands = 20 : i64, tpu.core_type = #tpu.core_type<sc_vector_subcore>, window_params = [{transform_indices = #map}, {transform_indices = #map}, {transform_indices = #map}]} {
    %mul3A = arith.constant 2 : i32
    %mul3A_0 = arith.muli %arg1, %mul3A : i32
    %add3A = arith.addi %mul3A_0, %arg0 : i32
    %mul3A_1 = arith.constant 200 : i32
    %mul3A_2 = arith.muli %add3A, %mul3A_1 : i32
    %mul3A_3 = arith.constant 25600 : i32
    %mul3A_4 = arith.muli %add3A, %mul3A_3 : i32
    %add3A_5 = arith.constant 0 : i32
    %add3A_6 = arith.addi %mul3A_2, %add3A_5 : i32
    "tpu.region"() ({
      %run_scoped3A = tpu.sem_alloc : memref<!tpu.dma_semaphore, #tpu.memory_space<semaphore_mem>>
      %dma_start3A_308 = arith.constant 0 : i32
      %dma_start3A_309 = tpu.memref_slice %arg2[%add3A_6, %dma_start3A_308] : memref<6400x128xi32, #tpu.memory_space<hbm>> -> memref<4x128xi32, #tpu.memory_space<hbm>>
      %dma_start3A_310 = arith.constant 0 : i32
      %dma_start3A_311 = tpu.memref_slice %arg2[%add3A_6, %dma_start3A_310] : memref<6400x128xi32, #tpu.memory_space<hbm>> -> memref<4x128xi32, #tpu.memory_space<hbm>>
      tpu.enqueue_dma source(%dma_start3A_311 : memref<4x128xi32, #tpu.memory_space<hbm>>) target(%arg5 : memref<4x128xi32, #tpu.memory_space<vmem>>) target_semaphore(%run_scoped3A : memref<!tpu.dma_semaphore, #tpu.memory_space<semaphore_mem>>)
      %dma_wait3A_312 = arith.constant 0 : i32
      %dma_wait3A_313 = tpu.memref_slice %arg2[%add3A_6, %dma_wait3A_312] : memref<6400x128xi32, #tpu.memory_space<hbm>> -> memref<4x128xi32, #tpu.memory_space<hbm>>
      %dma_wait3A_314 = arith.constant 0 : i32
      %dma_wait3A_315 = tpu.memref_slice %arg2[%add3A_6, %dma_wait3A_314] : memref<6400x128xi32, #tpu.memory_space<hbm>> -> memref<4x128xi32, #tpu.memory_space<hbm>>
      tpu.wait_dma2 semaphore(%run_scoped3A : memref<!tpu.dma_semaphore, #tpu.memory_space<semaphore_mem>>) src(%dma_wait3A_315 : memref<4x128xi32, #tpu.memory_space<hbm>>) dst(%arg5 : memref<4x128xi32, #tpu.memory_space<vmem>>)
      tpu.yield
    }) : () -> ()
    %dma_start3A = arith.constant 0 : i32
    %dma_start3A_7 = arith.constant 0 : i32
    %dma_start3A_8 = arith.constant 0 : i32
    %dma_start3A_9 = tpu.memref_slice %arg10[%dma_start3A_7, %dma_start3A_8] : memref<512x32xf32, #tpu.memory_space<vmem>> -> memref<128x32xf32, #tpu.memory_space<vmem>>
    %dma_start3A_10 = arith.constant 0 : i32
    %dma_start3A_11 = tpu.memref_slice %arg5[%dma_start3A, %dma_start3A_10] : memref<4x128xi32, #tpu.memory_space<vmem>> -> memref<1x128xi32, #tpu.memory_space<vmem>>
    %dma_start3A_12 = tpu.memref_squeeze %dma_start3A_11 : memref<1x128xi32, #tpu.memory_space<vmem>> -> memref<128xi32, #tpu.memory_space<vmem>>
    %dma_start3A_13 = arith.constant 0 : i32
    %dma_start3A_14 = arith.constant 0 : i32
    %dma_start3A_15 = tpu.memref_slice %arg3[%dma_start3A_13, %dma_start3A_14] : memref<1000001x32xf32, #tpu.memory_space<hbm>> -> memref<1000001x32xf32, #tpu.memory_space<hbm>>
    tpu.enqueue_indirect_dma source(%dma_start3A_15 : memref<1000001x32xf32, #tpu.memory_space<hbm>>) target(%dma_start3A_9 : memref<128x32xf32, #tpu.memory_space<vmem>>) offsets(%dma_start3A_12 : memref<128xi32, #tpu.memory_space<vmem>>) semaphore(%arg15 : memref<!tpu.dma_semaphore, #tpu.memory_space<semaphore_mem>>)
    %dma_start3A_16 = arith.constant 1 : i32
    %dma_start3A_17 = arith.constant 128 : i32
    %dma_start3A_18 = arith.constant 0 : i32
    %dma_start3A_19 = tpu.memref_slice %arg10[%dma_start3A_17, %dma_start3A_18] : memref<512x32xf32, #tpu.memory_space<vmem>> -> memref<128x32xf32, #tpu.memory_space<vmem>>
    %dma_start3A_20 = arith.constant 0 : i32
    %dma_start3A_21 = tpu.memref_slice %arg5[%dma_start3A_16, %dma_start3A_20] : memref<4x128xi32, #tpu.memory_space<vmem>> -> memref<1x128xi32, #tpu.memory_space<vmem>>
    %dma_start3A_22 = tpu.memref_squeeze %dma_start3A_21 : memref<1x128xi32, #tpu.memory_space<vmem>> -> memref<128xi32, #tpu.memory_space<vmem>>
    %dma_start3A_23 = arith.constant 0 : i32
    %dma_start3A_24 = arith.constant 0 : i32
    %dma_start3A_25 = tpu.memref_slice %arg3[%dma_start3A_23, %dma_start3A_24] : memref<1000001x32xf32, #tpu.memory_space<hbm>> -> memref<1000001x32xf32, #tpu.memory_space<hbm>>
    tpu.enqueue_indirect_dma source(%dma_start3A_25 : memref<1000001x32xf32, #tpu.memory_space<hbm>>) target(%dma_start3A_19 : memref<128x32xf32, #tpu.memory_space<vmem>>) offsets(%dma_start3A_22 : memref<128xi32, #tpu.memory_space<vmem>>) semaphore(%arg15 : memref<!tpu.dma_semaphore, #tpu.memory_space<semaphore_mem>>)
    %dma_start3A_26 = arith.constant 2 : i32
    %dma_start3A_27 = arith.constant 256 : i32
    %dma_start3A_28 = arith.constant 0 : i32
    %dma_start3A_29 = tpu.memref_slice %arg10[%dma_start3A_27, %dma_start3A_28] : memref<512x32xf32, #tpu.memory_space<vmem>> -> memref<128x32xf32, #tpu.memory_space<vmem>>
    %dma_start3A_30 = arith.constant 0 : i32
    %dma_start3A_31 = tpu.memref_slice %arg5[%dma_start3A_26, %dma_start3A_30] : memref<4x128xi32, #tpu.memory_space<vmem>> -> memref<1x128xi32, #tpu.memory_space<vmem>>
    %dma_start3A_32 = tpu.memref_squeeze %dma_start3A_31 : memref<1x128xi32, #tpu.memory_space<vmem>> -> memref<128xi32, #tpu.memory_space<vmem>>
    %dma_start3A_33 = arith.constant 0 : i32
    %dma_start3A_34 = arith.constant 0 : i32
    %dma_start3A_35 = tpu.memref_slice %arg3[%dma_start3A_33, %dma_start3A_34] : memref<1000001x32xf32, #tpu.memory_space<hbm>> -> memref<1000001x32xf32, #tpu.memory_space<hbm>>
    tpu.enqueue_indirect_dma source(%dma_start3A_35 : memref<1000001x32xf32, #tpu.memory_space<hbm>>) target(%dma_start3A_29 : memref<128x32xf32, #tpu.memory_space<vmem>>) offsets(%dma_start3A_32 : memref<128xi32, #tpu.memory_space<vmem>>) semaphore(%arg15 : memref<!tpu.dma_semaphore, #tpu.memory_space<semaphore_mem>>)
    %dma_start3A_36 = arith.constant 3 : i32
    %dma_start3A_37 = arith.constant 384 : i32
    %dma_start3A_38 = arith.constant 0 : i32
    %dma_start3A_39 = tpu.memref_slice %arg10[%dma_start3A_37, %dma_start3A_38] : memref<512x32xf32, #tpu.memory_space<vmem>> -> memref<128x32xf32, #tpu.memory_space<vmem>>
    %dma_start3A_40 = arith.constant 0 : i32
    %dma_start3A_41 = tpu.memref_slice %arg5[%dma_start3A_36, %dma_start3A_40] : memref<4x128xi32, #tpu.memory_space<vmem>> -> memref<1x128xi32, #tpu.memory_space<vmem>>
    %dma_start3A_42 = tpu.memref_squeeze %dma_start3A_41 : memref<1x128xi32, #tpu.memory_space<vmem>> -> memref<128xi32, #tpu.memory_space<vmem>>
    %dma_start3A_43 = arith.constant 0 : i32
    %dma_start3A_44 = arith.constant 0 : i32
    %dma_start3A_45 = tpu.memref_slice %arg3[%dma_start3A_43, %dma_start3A_44] : memref<1000001x32xf32, #tpu.memory_space<hbm>> -> memref<1000001x32xf32, #tpu.memory_space<hbm>>
    tpu.enqueue_indirect_dma source(%dma_start3A_45 : memref<1000001x32xf32, #tpu.memory_space<hbm>>) target(%dma_start3A_39 : memref<128x32xf32, #tpu.memory_space<vmem>>) offsets(%dma_start3A_42 : memref<128xi32, #tpu.memory_space<vmem>>) semaphore(%arg15 : memref<!tpu.dma_semaphore, #tpu.memory_space<semaphore_mem>>)
    %add3A_46 = arith.constant 4 : i32
    %add3A_47 = arith.addi %mul3A_2, %add3A_46 : i32
    "tpu.region"() ({
      %run_scoped3A = tpu.sem_alloc : memref<!tpu.dma_semaphore, #tpu.memory_space<semaphore_mem>>
      %dma_start3A_308 = arith.constant 0 : i32
      %dma_start3A_309 = tpu.memref_slice %arg2[%add3A_47, %dma_start3A_308] : memref<6400x128xi32, #tpu.memory_space<hbm>> -> memref<4x128xi32, #tpu.memory_space<hbm>>
      %dma_start3A_310 = arith.constant 0 : i32
      %dma_start3A_311 = tpu.memref_slice %arg2[%add3A_47, %dma_start3A_310] : memref<6400x128xi32, #tpu.memory_space<hbm>> -> memref<4x128xi32, #tpu.memory_space<hbm>>
      tpu.enqueue_dma source(%dma_start3A_311 : memref<4x128xi32, #tpu.memory_space<hbm>>) target(%arg6 : memref<4x128xi32, #tpu.memory_space<vmem>>) target_semaphore(%run_scoped3A : memref<!tpu.dma_semaphore, #tpu.memory_space<semaphore_mem>>)
      %dma_wait3A_312 = arith.constant 0 : i32
      %dma_wait3A_313 = tpu.memref_slice %arg2[%add3A_47, %dma_wait3A_312] : memref<6400x128xi32, #tpu.memory_space<hbm>> -> memref<4x128xi32, #tpu.memory_space<hbm>>
      %dma_wait3A_314 = arith.constant 0 : i32
      %dma_wait3A_315 = tpu.memref_slice %arg2[%add3A_47, %dma_wait3A_314] : memref<6400x128xi32, #tpu.memory_space<hbm>> -> memref<4x128xi32, #tpu.memory_space<hbm>>
      tpu.wait_dma2 semaphore(%run_scoped3A : memref<!tpu.dma_semaphore, #tpu.memory_space<semaphore_mem>>) src(%dma_wait3A_315 : memref<4x128xi32, #tpu.memory_space<hbm>>) dst(%arg6 : memref<4x128xi32, #tpu.memory_space<vmem>>)
      tpu.yield
    }) : () -> ()
    %dma_start3A_48 = arith.constant 0 : i32
    %dma_start3A_49 = arith.constant 0 : i32
    %dma_start3A_50 = arith.constant 0 : i32
    %dma_start3A_51 = tpu.memref_slice %arg11[%dma_start3A_49, %dma_start3A_50] : memref<512x32xf32, #tpu.memory_space<vmem>> -> memref<128x32xf32, #tpu.memory_space<vmem>>
    %dma_start3A_52 = arith.constant 0 : i32
    %dma_start3A_53 = tpu.memref_slice %arg6[%dma_start3A_48, %dma_start3A_52] : memref<4x128xi32, #tpu.memory_space<vmem>> -> memref<1x128xi32, #tpu.memory_space<vmem>>
    %dma_start3A_54 = tpu.memref_squeeze %dma_start3A_53 : memref<1x128xi32, #tpu.memory_space<vmem>> -> memref<128xi32, #tpu.memory_space<vmem>>
    %dma_start3A_55 = arith.constant 0 : i32
    %dma_start3A_56 = arith.constant 0 : i32
    %dma_start3A_57 = tpu.memref_slice %arg3[%dma_start3A_55, %dma_start3A_56] : memref<1000001x32xf32, #tpu.memory_space<hbm>> -> memref<1000001x32xf32, #tpu.memory_space<hbm>>
    tpu.enqueue_indirect_dma source(%dma_start3A_57 : memref<1000001x32xf32, #tpu.memory_space<hbm>>) target(%dma_start3A_51 : memref<128x32xf32, #tpu.memory_space<vmem>>) offsets(%dma_start3A_54 : memref<128xi32, #tpu.memory_space<vmem>>) semaphore(%arg16 : memref<!tpu.dma_semaphore, #tpu.memory_space<semaphore_mem>>)
    %dma_start3A_58 = arith.constant 1 : i32
    %dma_start3A_59 = arith.constant 128 : i32
    %dma_start3A_60 = arith.constant 0 : i32
    %dma_start3A_61 = tpu.memref_slice %arg11[%dma_start3A_59, %dma_start3A_60] : memref<512x32xf32, #tpu.memory_space<vmem>> -> memref<128x32xf32, #tpu.memory_space<vmem>>
    %dma_start3A_62 = arith.constant 0 : i32
    %dma_start3A_63 = tpu.memref_slice %arg6[%dma_start3A_58, %dma_start3A_62] : memref<4x128xi32, #tpu.memory_space<vmem>> -> memref<1x128xi32, #tpu.memory_space<vmem>>
    %dma_start3A_64 = tpu.memref_squeeze %dma_start3A_63 : memref<1x128xi32, #tpu.memory_space<vmem>> -> memref<128xi32, #tpu.memory_space<vmem>>
    %dma_start3A_65 = arith.constant 0 : i32
    %dma_start3A_66 = arith.constant 0 : i32
    %dma_start3A_67 = tpu.memref_slice %arg3[%dma_start3A_65, %dma_start3A_66] : memref<1000001x32xf32, #tpu.memory_space<hbm>> -> memref<1000001x32xf32, #tpu.memory_space<hbm>>
    tpu.enqueue_indirect_dma source(%dma_start3A_67 : memref<1000001x32xf32, #tpu.memory_space<hbm>>) target(%dma_start3A_61 : memref<128x32xf32, #tpu.memory_space<vmem>>) offsets(%dma_start3A_64 : memref<128xi32, #tpu.memory_space<vmem>>) semaphore(%arg16 : memref<!tpu.dma_semaphore, #tpu.memory_space<semaphore_mem>>)
    %dma_start3A_68 = arith.constant 2 : i32
    %dma_start3A_69 = arith.constant 256 : i32
    %dma_start3A_70 = arith.constant 0 : i32
    %dma_start3A_71 = tpu.memref_slice %arg11[%dma_start3A_69, %dma_start3A_70] : memref<512x32xf32, #tpu.memory_space<vmem>> -> memref<128x32xf32, #tpu.memory_space<vmem>>
    %dma_start3A_72 = arith.constant 0 : i32
    %dma_start3A_73 = tpu.memref_slice %arg6[%dma_start3A_68, %dma_start3A_72] : memref<4x128xi32, #tpu.memory_space<vmem>> -> memref<1x128xi32, #tpu.memory_space<vmem>>
    %dma_start3A_74 = tpu.memref_squeeze %dma_start3A_73 : memref<1x128xi32, #tpu.memory_space<vmem>> -> memref<128xi32, #tpu.memory_space<vmem>>
    %dma_start3A_75 = arith.constant 0 : i32
    %dma_start3A_76 = arith.constant 0 : i32
    %dma_start3A_77 = tpu.memref_slice %arg3[%dma_start3A_75, %dma_start3A_76] : memref<1000001x32xf32, #tpu.memory_space<hbm>> -> memref<1000001x32xf32, #tpu.memory_space<hbm>>
    tpu.enqueue_indirect_dma source(%dma_start3A_77 : memref<1000001x32xf32, #tpu.memory_space<hbm>>) target(%dma_start3A_71 : memref<128x32xf32, #tpu.memory_space<vmem>>) offsets(%dma_start3A_74 : memref<128xi32, #tpu.memory_space<vmem>>) semaphore(%arg16 : memref<!tpu.dma_semaphore, #tpu.memory_space<semaphore_mem>>)
    %dma_start3A_78 = arith.constant 3 : i32
    %dma_start3A_79 = arith.constant 384 : i32
    %dma_start3A_80 = arith.constant 0 : i32
    %dma_start3A_81 = tpu.memref_slice %arg11[%dma_start3A_79, %dma_start3A_80] : memref<512x32xf32, #tpu.memory_space<vmem>> -> memref<128x32xf32, #tpu.memory_space<vmem>>
    %dma_start3A_82 = arith.constant 0 : i32
    %dma_start3A_83 = tpu.memref_slice %arg6[%dma_start3A_78, %dma_start3A_82] : memref<4x128xi32, #tpu.memory_space<vmem>> -> memref<1x128xi32, #tpu.memory_space<vmem>>
    %dma_start3A_84 = tpu.memref_squeeze %dma_start3A_83 : memref<1x128xi32, #tpu.memory_space<vmem>> -> memref<128xi32, #tpu.memory_space<vmem>>
    %dma_start3A_85 = arith.constant 0 : i32
    %dma_start3A_86 = arith.constant 0 : i32
    %dma_start3A_87 = tpu.memref_slice %arg3[%dma_start3A_85, %dma_start3A_86] : memref<1000001x32xf32, #tpu.memory_space<hbm>> -> memref<1000001x32xf32, #tpu.memory_space<hbm>>
    tpu.enqueue_indirect_dma source(%dma_start3A_87 : memref<1000001x32xf32, #tpu.memory_space<hbm>>) target(%dma_start3A_81 : memref<128x32xf32, #tpu.memory_space<vmem>>) offsets(%dma_start3A_84 : memref<128xi32, #tpu.memory_space<vmem>>) semaphore(%arg16 : memref<!tpu.dma_semaphore, #tpu.memory_space<semaphore_mem>>)
    %add3A_88 = arith.constant 8 : i32
    %add3A_89 = arith.addi %mul3A_2, %add3A_88 : i32
    "tpu.region"() ({
      %run_scoped3A = tpu.sem_alloc : memref<!tpu.dma_semaphore, #tpu.memory_space<semaphore_mem>>
      %dma_start3A_308 = arith.constant 0 : i32
      %dma_start3A_309 = tpu.memref_slice %arg2[%add3A_89, %dma_start3A_308] : memref<6400x128xi32, #tpu.memory_space<hbm>> -> memref<4x128xi32, #tpu.memory_space<hbm>>
      %dma_start3A_310 = arith.constant 0 : i32
      %dma_start3A_311 = tpu.memref_slice %arg2[%add3A_89, %dma_start3A_310] : memref<6400x128xi32, #tpu.memory_space<hbm>> -> memref<4x128xi32, #tpu.memory_space<hbm>>
      tpu.enqueue_dma source(%dma_start3A_311 : memref<4x128xi32, #tpu.memory_space<hbm>>) target(%arg7 : memref<4x128xi32, #tpu.memory_space<vmem>>) target_semaphore(%run_scoped3A : memref<!tpu.dma_semaphore, #tpu.memory_space<semaphore_mem>>)
      %dma_wait3A_312 = arith.constant 0 : i32
      %dma_wait3A_313 = tpu.memref_slice %arg2[%add3A_89, %dma_wait3A_312] : memref<6400x128xi32, #tpu.memory_space<hbm>> -> memref<4x128xi32, #tpu.memory_space<hbm>>
      %dma_wait3A_314 = arith.constant 0 : i32
      %dma_wait3A_315 = tpu.memref_slice %arg2[%add3A_89, %dma_wait3A_314] : memref<6400x128xi32, #tpu.memory_space<hbm>> -> memref<4x128xi32, #tpu.memory_space<hbm>>
      tpu.wait_dma2 semaphore(%run_scoped3A : memref<!tpu.dma_semaphore, #tpu.memory_space<semaphore_mem>>) src(%dma_wait3A_315 : memref<4x128xi32, #tpu.memory_space<hbm>>) dst(%arg7 : memref<4x128xi32, #tpu.memory_space<vmem>>)
      tpu.yield
    }) : () -> ()
    %dma_start3A_90 = arith.constant 0 : i32
    %dma_start3A_91 = arith.constant 0 : i32
    %dma_start3A_92 = arith.constant 0 : i32
    %dma_start3A_93 = tpu.memref_slice %arg12[%dma_start3A_91, %dma_start3A_92] : memref<512x32xf32, #tpu.memory_space<vmem>> -> memref<128x32xf32, #tpu.memory_space<vmem>>
    %dma_start3A_94 = arith.constant 0 : i32
    %dma_start3A_95 = tpu.memref_slice %arg7[%dma_start3A_90, %dma_start3A_94] : memref<4x128xi32, #tpu.memory_space<vmem>> -> memref<1x128xi32, #tpu.memory_space<vmem>>
    %dma_start3A_96 = tpu.memref_squeeze %dma_start3A_95 : memref<1x128xi32, #tpu.memory_space<vmem>> -> memref<128xi32, #tpu.memory_space<vmem>>
    %dma_start3A_97 = arith.constant 0 : i32
    %dma_start3A_98 = arith.constant 0 : i32
    %dma_start3A_99 = tpu.memref_slice %arg3[%dma_start3A_97, %dma_start3A_98] : memref<1000001x32xf32, #tpu.memory_space<hbm>> -> memref<1000001x32xf32, #tpu.memory_space<hbm>>
    tpu.enqueue_indirect_dma source(%dma_start3A_99 : memref<1000001x32xf32, #tpu.memory_space<hbm>>) target(%dma_start3A_93 : memref<128x32xf32, #tpu.memory_space<vmem>>) offsets(%dma_start3A_96 : memref<128xi32, #tpu.memory_space<vmem>>) semaphore(%arg17 : memref<!tpu.dma_semaphore, #tpu.memory_space<semaphore_mem>>)
    %dma_start3A_100 = arith.constant 1 : i32
    %dma_start3A_101 = arith.constant 128 : i32
    %dma_start3A_102 = arith.constant 0 : i32
    %dma_start3A_103 = tpu.memref_slice %arg12[%dma_start3A_101, %dma_start3A_102] : memref<512x32xf32, #tpu.memory_space<vmem>> -> memref<128x32xf32, #tpu.memory_space<vmem>>
    %dma_start3A_104 = arith.constant 0 : i32
    %dma_start3A_105 = tpu.memref_slice %arg7[%dma_start3A_100, %dma_start3A_104] : memref<4x128xi32, #tpu.memory_space<vmem>> -> memref<1x128xi32, #tpu.memory_space<vmem>>
    %dma_start3A_106 = tpu.memref_squeeze %dma_start3A_105 : memref<1x128xi32, #tpu.memory_space<vmem>> -> memref<128xi32, #tpu.memory_space<vmem>>
    %dma_start3A_107 = arith.constant 0 : i32
    %dma_start3A_108 = arith.constant 0 : i32
    %dma_start3A_109 = tpu.memref_slice %arg3[%dma_start3A_107, %dma_start3A_108] : memref<1000001x32xf32, #tpu.memory_space<hbm>> -> memref<1000001x32xf32, #tpu.memory_space<hbm>>
    tpu.enqueue_indirect_dma source(%dma_start3A_109 : memref<1000001x32xf32, #tpu.memory_space<hbm>>) target(%dma_start3A_103 : memref<128x32xf32, #tpu.memory_space<vmem>>) offsets(%dma_start3A_106 : memref<128xi32, #tpu.memory_space<vmem>>) semaphore(%arg17 : memref<!tpu.dma_semaphore, #tpu.memory_space<semaphore_mem>>)
    %dma_start3A_110 = arith.constant 2 : i32
    %dma_start3A_111 = arith.constant 256 : i32
    %dma_start3A_112 = arith.constant 0 : i32
    %dma_start3A_113 = tpu.memref_slice %arg12[%dma_start3A_111, %dma_start3A_112] : memref<512x32xf32, #tpu.memory_space<vmem>> -> memref<128x32xf32, #tpu.memory_space<vmem>>
    %dma_start3A_114 = arith.constant 0 : i32
    %dma_start3A_115 = tpu.memref_slice %arg7[%dma_start3A_110, %dma_start3A_114] : memref<4x128xi32, #tpu.memory_space<vmem>> -> memref<1x128xi32, #tpu.memory_space<vmem>>
    %dma_start3A_116 = tpu.memref_squeeze %dma_start3A_115 : memref<1x128xi32, #tpu.memory_space<vmem>> -> memref<128xi32, #tpu.memory_space<vmem>>
    %dma_start3A_117 = arith.constant 0 : i32
    %dma_start3A_118 = arith.constant 0 : i32
    %dma_start3A_119 = tpu.memref_slice %arg3[%dma_start3A_117, %dma_start3A_118] : memref<1000001x32xf32, #tpu.memory_space<hbm>> -> memref<1000001x32xf32, #tpu.memory_space<hbm>>
    tpu.enqueue_indirect_dma source(%dma_start3A_119 : memref<1000001x32xf32, #tpu.memory_space<hbm>>) target(%dma_start3A_113 : memref<128x32xf32, #tpu.memory_space<vmem>>) offsets(%dma_start3A_116 : memref<128xi32, #tpu.memory_space<vmem>>) semaphore(%arg17 : memref<!tpu.dma_semaphore, #tpu.memory_space<semaphore_mem>>)
    %dma_start3A_120 = arith.constant 3 : i32
    %dma_start3A_121 = arith.constant 384 : i32
    %dma_start3A_122 = arith.constant 0 : i32
    %dma_start3A_123 = tpu.memref_slice %arg12[%dma_start3A_121, %dma_start3A_122] : memref<512x32xf32, #tpu.memory_space<vmem>> -> memref<128x32xf32, #tpu.memory_space<vmem>>
    %dma_start3A_124 = arith.constant 0 : i32
    %dma_start3A_125 = tpu.memref_slice %arg7[%dma_start3A_120, %dma_start3A_124] : memref<4x128xi32, #tpu.memory_space<vmem>> -> memref<1x128xi32, #tpu.memory_space<vmem>>
    %dma_start3A_126 = tpu.memref_squeeze %dma_start3A_125 : memref<1x128xi32, #tpu.memory_space<vmem>> -> memref<128xi32, #tpu.memory_space<vmem>>
    %dma_start3A_127 = arith.constant 0 : i32
    %dma_start3A_128 = arith.constant 0 : i32
    %dma_start3A_129 = tpu.memref_slice %arg3[%dma_start3A_127, %dma_start3A_128] : memref<1000001x32xf32, #tpu.memory_space<hbm>> -> memref<1000001x32xf32, #tpu.memory_space<hbm>>
    tpu.enqueue_indirect_dma source(%dma_start3A_129 : memref<1000001x32xf32, #tpu.memory_space<hbm>>) target(%dma_start3A_123 : memref<128x32xf32, #tpu.memory_space<vmem>>) offsets(%dma_start3A_126 : memref<128xi32, #tpu.memory_space<vmem>>) semaphore(%arg17 : memref<!tpu.dma_semaphore, #tpu.memory_space<semaphore_mem>>)
    %add3A_130 = arith.constant 12 : i32
    %add3A_131 = arith.addi %mul3A_2, %add3A_130 : i32
    "tpu.region"() ({
      %run_scoped3A = tpu.sem_alloc : memref<!tpu.dma_semaphore, #tpu.memory_space<semaphore_mem>>
      %dma_start3A_308 = arith.constant 0 : i32
      %dma_start3A_309 = tpu.memref_slice %arg2[%add3A_131, %dma_start3A_308] : memref<6400x128xi32, #tpu.memory_space<hbm>> -> memref<4x128xi32, #tpu.memory_space<hbm>>
      %dma_start3A_310 = arith.constant 0 : i32
      %dma_start3A_311 = tpu.memref_slice %arg2[%add3A_131, %dma_start3A_310] : memref<6400x128xi32, #tpu.memory_space<hbm>> -> memref<4x128xi32, #tpu.memory_space<hbm>>
      tpu.enqueue_dma source(%dma_start3A_311 : memref<4x128xi32, #tpu.memory_space<hbm>>) target(%arg8 : memref<4x128xi32, #tpu.memory_space<vmem>>) target_semaphore(%run_scoped3A : memref<!tpu.dma_semaphore, #tpu.memory_space<semaphore_mem>>)
      %dma_wait3A_312 = arith.constant 0 : i32
      %dma_wait3A_313 = tpu.memref_slice %arg2[%add3A_131, %dma_wait3A_312] : memref<6400x128xi32, #tpu.memory_space<hbm>> -> memref<4x128xi32, #tpu.memory_space<hbm>>
      %dma_wait3A_314 = arith.constant 0 : i32
      %dma_wait3A_315 = tpu.memref_slice %arg2[%add3A_131, %dma_wait3A_314] : memref<6400x128xi32, #tpu.memory_space<hbm>> -> memref<4x128xi32, #tpu.memory_space<hbm>>
      tpu.wait_dma2 semaphore(%run_scoped3A : memref<!tpu.dma_semaphore, #tpu.memory_space<semaphore_mem>>) src(%dma_wait3A_315 : memref<4x128xi32, #tpu.memory_space<hbm>>) dst(%arg8 : memref<4x128xi32, #tpu.memory_space<vmem>>)
      tpu.yield
    }) : () -> ()
    %dma_start3A_132 = arith.constant 0 : i32
    %dma_start3A_133 = arith.constant 0 : i32
    %dma_start3A_134 = arith.constant 0 : i32
    %dma_start3A_135 = tpu.memref_slice %arg13[%dma_start3A_133, %dma_start3A_134] : memref<512x32xf32, #tpu.memory_space<vmem>> -> memref<128x32xf32, #tpu.memory_space<vmem>>
    %dma_start3A_136 = arith.constant 0 : i32
    %dma_start3A_137 = tpu.memref_slice %arg8[%dma_start3A_132, %dma_start3A_136] : memref<4x128xi32, #tpu.memory_space<vmem>> -> memref<1x128xi32, #tpu.memory_space<vmem>>
    %dma_start3A_138 = tpu.memref_squeeze %dma_start3A_137 : memref<1x128xi32, #tpu.memory_space<vmem>> -> memref<128xi32, #tpu.memory_space<vmem>>
    %dma_start3A_139 = arith.constant 0 : i32
    %dma_start3A_140 = arith.constant 0 : i32
    %dma_start3A_141 = tpu.memref_slice %arg3[%dma_start3A_139, %dma_start3A_140] : memref<1000001x32xf32, #tpu.memory_space<hbm>> -> memref<1000001x32xf32, #tpu.memory_space<hbm>>
    tpu.enqueue_indirect_dma source(%dma_start3A_141 : memref<1000001x32xf32, #tpu.memory_space<hbm>>) target(%dma_start3A_135 : memref<128x32xf32, #tpu.memory_space<vmem>>) offsets(%dma_start3A_138 : memref<128xi32, #tpu.memory_space<vmem>>) semaphore(%arg18 : memref<!tpu.dma_semaphore, #tpu.memory_space<semaphore_mem>>)
    %dma_start3A_142 = arith.constant 1 : i32
    %dma_start3A_143 = arith.constant 128 : i32
    %dma_start3A_144 = arith.constant 0 : i32
    %dma_start3A_145 = tpu.memref_slice %arg13[%dma_start3A_143, %dma_start3A_144] : memref<512x32xf32, #tpu.memory_space<vmem>> -> memref<128x32xf32, #tpu.memory_space<vmem>>
    %dma_start3A_146 = arith.constant 0 : i32
    %dma_start3A_147 = tpu.memref_slice %arg8[%dma_start3A_142, %dma_start3A_146] : memref<4x128xi32, #tpu.memory_space<vmem>> -> memref<1x128xi32, #tpu.memory_space<vmem>>
    %dma_start3A_148 = tpu.memref_squeeze %dma_start3A_147 : memref<1x128xi32, #tpu.memory_space<vmem>> -> memref<128xi32, #tpu.memory_space<vmem>>
    %dma_start3A_149 = arith.constant 0 : i32
    %dma_start3A_150 = arith.constant 0 : i32
    %dma_start3A_151 = tpu.memref_slice %arg3[%dma_start3A_149, %dma_start3A_150] : memref<1000001x32xf32, #tpu.memory_space<hbm>> -> memref<1000001x32xf32, #tpu.memory_space<hbm>>
    tpu.enqueue_indirect_dma source(%dma_start3A_151 : memref<1000001x32xf32, #tpu.memory_space<hbm>>) target(%dma_start3A_145 : memref<128x32xf32, #tpu.memory_space<vmem>>) offsets(%dma_start3A_148 : memref<128xi32, #tpu.memory_space<vmem>>) semaphore(%arg18 : memref<!tpu.dma_semaphore, #tpu.memory_space<semaphore_mem>>)
    %dma_start3A_152 = arith.constant 2 : i32
    %dma_start3A_153 = arith.constant 256 : i32
    %dma_start3A_154 = arith.constant 0 : i32
    %dma_start3A_155 = tpu.memref_slice %arg13[%dma_start3A_153, %dma_start3A_154] : memref<512x32xf32, #tpu.memory_space<vmem>> -> memref<128x32xf32, #tpu.memory_space<vmem>>
    %dma_start3A_156 = arith.constant 0 : i32
    %dma_start3A_157 = tpu.memref_slice %arg8[%dma_start3A_152, %dma_start3A_156] : memref<4x128xi32, #tpu.memory_space<vmem>> -> memref<1x128xi32, #tpu.memory_space<vmem>>
    %dma_start3A_158 = tpu.memref_squeeze %dma_start3A_157 : memref<1x128xi32, #tpu.memory_space<vmem>> -> memref<128xi32, #tpu.memory_space<vmem>>
    %dma_start3A_159 = arith.constant 0 : i32
    %dma_start3A_160 = arith.constant 0 : i32
    %dma_start3A_161 = tpu.memref_slice %arg3[%dma_start3A_159, %dma_start3A_160] : memref<1000001x32xf32, #tpu.memory_space<hbm>> -> memref<1000001x32xf32, #tpu.memory_space<hbm>>
    tpu.enqueue_indirect_dma source(%dma_start3A_161 : memref<1000001x32xf32, #tpu.memory_space<hbm>>) target(%dma_start3A_155 : memref<128x32xf32, #tpu.memory_space<vmem>>) offsets(%dma_start3A_158 : memref<128xi32, #tpu.memory_space<vmem>>) semaphore(%arg18 : memref<!tpu.dma_semaphore, #tpu.memory_space<semaphore_mem>>)
    %dma_start3A_162 = arith.constant 3 : i32
    %dma_start3A_163 = arith.constant 384 : i32
    %dma_start3A_164 = arith.constant 0 : i32
    %dma_start3A_165 = tpu.memref_slice %arg13[%dma_start3A_163, %dma_start3A_164] : memref<512x32xf32, #tpu.memory_space<vmem>> -> memref<128x32xf32, #tpu.memory_space<vmem>>
    %dma_start3A_166 = arith.constant 0 : i32
    %dma_start3A_167 = tpu.memref_slice %arg8[%dma_start3A_162, %dma_start3A_166] : memref<4x128xi32, #tpu.memory_space<vmem>> -> memref<1x128xi32, #tpu.memory_space<vmem>>
    %dma_start3A_168 = tpu.memref_squeeze %dma_start3A_167 : memref<1x128xi32, #tpu.memory_space<vmem>> -> memref<128xi32, #tpu.memory_space<vmem>>
    %dma_start3A_169 = arith.constant 0 : i32
    %dma_start3A_170 = arith.constant 0 : i32
    %dma_start3A_171 = tpu.memref_slice %arg3[%dma_start3A_169, %dma_start3A_170] : memref<1000001x32xf32, #tpu.memory_space<hbm>> -> memref<1000001x32xf32, #tpu.memory_space<hbm>>
    tpu.enqueue_indirect_dma source(%dma_start3A_171 : memref<1000001x32xf32, #tpu.memory_space<hbm>>) target(%dma_start3A_165 : memref<128x32xf32, #tpu.memory_space<vmem>>) offsets(%dma_start3A_168 : memref<128xi32, #tpu.memory_space<vmem>>) semaphore(%arg18 : memref<!tpu.dma_semaphore, #tpu.memory_space<semaphore_mem>>)
    %add3A_172 = arith.constant 16 : i32
    %add3A_173 = arith.addi %mul3A_2, %add3A_172 : i32
    "tpu.region"() ({
      %run_scoped3A = tpu.sem_alloc : memref<!tpu.dma_semaphore, #tpu.memory_space<semaphore_mem>>
      %dma_start3A_308 = arith.constant 0 : i32
      %dma_start3A_309 = tpu.memref_slice %arg2[%add3A_173, %dma_start3A_308] : memref<6400x128xi32, #tpu.memory_space<hbm>> -> memref<4x128xi32, #tpu.memory_space<hbm>>
      %dma_start3A_310 = arith.constant 0 : i32
      %dma_start3A_311 = tpu.memref_slice %arg2[%add3A_173, %dma_start3A_310] : memref<6400x128xi32, #tpu.memory_space<hbm>> -> memref<4x128xi32, #tpu.memory_space<hbm>>
      tpu.enqueue_dma source(%dma_start3A_311 : memref<4x128xi32, #tpu.memory_space<hbm>>) target(%arg9 : memref<4x128xi32, #tpu.memory_space<vmem>>) target_semaphore(%run_scoped3A : memref<!tpu.dma_semaphore, #tpu.memory_space<semaphore_mem>>)
      %dma_wait3A_312 = arith.constant 0 : i32
      %dma_wait3A_313 = tpu.memref_slice %arg2[%add3A_173, %dma_wait3A_312] : memref<6400x128xi32, #tpu.memory_space<hbm>> -> memref<4x128xi32, #tpu.memory_space<hbm>>
      %dma_wait3A_314 = arith.constant 0 : i32
      %dma_wait3A_315 = tpu.memref_slice %arg2[%add3A_173, %dma_wait3A_314] : memref<6400x128xi32, #tpu.memory_space<hbm>> -> memref<4x128xi32, #tpu.memory_space<hbm>>
      tpu.wait_dma2 semaphore(%run_scoped3A : memref<!tpu.dma_semaphore, #tpu.memory_space<semaphore_mem>>) src(%dma_wait3A_315 : memref<4x128xi32, #tpu.memory_space<hbm>>) dst(%arg9 : memref<4x128xi32, #tpu.memory_space<vmem>>)
      tpu.yield
    }) : () -> ()
    %dma_start3A_174 = arith.constant 0 : i32
    %dma_start3A_175 = arith.constant 0 : i32
    %dma_start3A_176 = arith.constant 0 : i32
    %dma_start3A_177 = tpu.memref_slice %arg14[%dma_start3A_175, %dma_start3A_176] : memref<512x32xf32, #tpu.memory_space<vmem>> -> memref<128x32xf32, #tpu.memory_space<vmem>>
    %dma_start3A_178 = arith.constant 0 : i32
    %dma_start3A_179 = tpu.memref_slice %arg9[%dma_start3A_174, %dma_start3A_178] : memref<4x128xi32, #tpu.memory_space<vmem>> -> memref<1x128xi32, #tpu.memory_space<vmem>>
    %dma_start3A_180 = tpu.memref_squeeze %dma_start3A_179 : memref<1x128xi32, #tpu.memory_space<vmem>> -> memref<128xi32, #tpu.memory_space<vmem>>
    %dma_start3A_181 = arith.constant 0 : i32
    %dma_start3A_182 = arith.constant 0 : i32
    %dma_start3A_183 = tpu.memref_slice %arg3[%dma_start3A_181, %dma_start3A_182] : memref<1000001x32xf32, #tpu.memory_space<hbm>> -> memref<1000001x32xf32, #tpu.memory_space<hbm>>
    tpu.enqueue_indirect_dma source(%dma_start3A_183 : memref<1000001x32xf32, #tpu.memory_space<hbm>>) target(%dma_start3A_177 : memref<128x32xf32, #tpu.memory_space<vmem>>) offsets(%dma_start3A_180 : memref<128xi32, #tpu.memory_space<vmem>>) semaphore(%arg19 : memref<!tpu.dma_semaphore, #tpu.memory_space<semaphore_mem>>)
    %dma_start3A_184 = arith.constant 1 : i32
    %dma_start3A_185 = arith.constant 128 : i32
    %dma_start3A_186 = arith.constant 0 : i32
    %dma_start3A_187 = tpu.memref_slice %arg14[%dma_start3A_185, %dma_start3A_186] : memref<512x32xf32, #tpu.memory_space<vmem>> -> memref<128x32xf32, #tpu.memory_space<vmem>>
    %dma_start3A_188 = arith.constant 0 : i32
    %dma_start3A_189 = tpu.memref_slice %arg9[%dma_start3A_184, %dma_start3A_188] : memref<4x128xi32, #tpu.memory_space<vmem>> -> memref<1x128xi32, #tpu.memory_space<vmem>>
    %dma_start3A_190 = tpu.memref_squeeze %dma_start3A_189 : memref<1x128xi32, #tpu.memory_space<vmem>> -> memref<128xi32, #tpu.memory_space<vmem>>
    %dma_start3A_191 = arith.constant 0 : i32
    %dma_start3A_192 = arith.constant 0 : i32
    %dma_start3A_193 = tpu.memref_slice %arg3[%dma_start3A_191, %dma_start3A_192] : memref<1000001x32xf32, #tpu.memory_space<hbm>> -> memref<1000001x32xf32, #tpu.memory_space<hbm>>
    tpu.enqueue_indirect_dma source(%dma_start3A_193 : memref<1000001x32xf32, #tpu.memory_space<hbm>>) target(%dma_start3A_187 : memref<128x32xf32, #tpu.memory_space<vmem>>) offsets(%dma_start3A_190 : memref<128xi32, #tpu.memory_space<vmem>>) semaphore(%arg19 : memref<!tpu.dma_semaphore, #tpu.memory_space<semaphore_mem>>)
    %dma_start3A_194 = arith.constant 2 : i32
    %dma_start3A_195 = arith.constant 256 : i32
    %dma_start3A_196 = arith.constant 0 : i32
    %dma_start3A_197 = tpu.memref_slice %arg14[%dma_start3A_195, %dma_start3A_196] : memref<512x32xf32, #tpu.memory_space<vmem>> -> memref<128x32xf32, #tpu.memory_space<vmem>>
    %dma_start3A_198 = arith.constant 0 : i32
    %dma_start3A_199 = tpu.memref_slice %arg9[%dma_start3A_194, %dma_start3A_198] : memref<4x128xi32, #tpu.memory_space<vmem>> -> memref<1x128xi32, #tpu.memory_space<vmem>>
    %dma_start3A_200 = tpu.memref_squeeze %dma_start3A_199 : memref<1x128xi32, #tpu.memory_space<vmem>> -> memref<128xi32, #tpu.memory_space<vmem>>
    %dma_start3A_201 = arith.constant 0 : i32
    %dma_start3A_202 = arith.constant 0 : i32
    %dma_start3A_203 = tpu.memref_slice %arg3[%dma_start3A_201, %dma_start3A_202] : memref<1000001x32xf32, #tpu.memory_space<hbm>> -> memref<1000001x32xf32, #tpu.memory_space<hbm>>
    tpu.enqueue_indirect_dma source(%dma_start3A_203 : memref<1000001x32xf32, #tpu.memory_space<hbm>>) target(%dma_start3A_197 : memref<128x32xf32, #tpu.memory_space<vmem>>) offsets(%dma_start3A_200 : memref<128xi32, #tpu.memory_space<vmem>>) semaphore(%arg19 : memref<!tpu.dma_semaphore, #tpu.memory_space<semaphore_mem>>)
    %dma_start3A_204 = arith.constant 3 : i32
    %dma_start3A_205 = arith.constant 384 : i32
    %dma_start3A_206 = arith.constant 0 : i32
    %dma_start3A_207 = tpu.memref_slice %arg14[%dma_start3A_205, %dma_start3A_206] : memref<512x32xf32, #tpu.memory_space<vmem>> -> memref<128x32xf32, #tpu.memory_space<vmem>>
    %dma_start3A_208 = arith.constant 0 : i32
    %dma_start3A_209 = tpu.memref_slice %arg9[%dma_start3A_204, %dma_start3A_208] : memref<4x128xi32, #tpu.memory_space<vmem>> -> memref<1x128xi32, #tpu.memory_space<vmem>>
    %dma_start3A_210 = tpu.memref_squeeze %dma_start3A_209 : memref<1x128xi32, #tpu.memory_space<vmem>> -> memref<128xi32, #tpu.memory_space<vmem>>
    %dma_start3A_211 = arith.constant 0 : i32
    %dma_start3A_212 = arith.constant 0 : i32
    %dma_start3A_213 = tpu.memref_slice %arg3[%dma_start3A_211, %dma_start3A_212] : memref<1000001x32xf32, #tpu.memory_space<hbm>> -> memref<1000001x32xf32, #tpu.memory_space<hbm>>
    tpu.enqueue_indirect_dma source(%dma_start3A_213 : memref<1000001x32xf32, #tpu.memory_space<hbm>>) target(%dma_start3A_207 : memref<128x32xf32, #tpu.memory_space<vmem>>) offsets(%dma_start3A_210 : memref<128xi32, #tpu.memory_space<vmem>>) semaphore(%arg19 : memref<!tpu.dma_semaphore, #tpu.memory_space<semaphore_mem>>)
    %scan3A = arith.constant 0 : i32
    %scan3A_214 = arith.constant 0 : i32
    %scan3A_215 = arith.constant 9 : i32
    %scan3A_216 = arith.addi %scan3A_214, %scan3A_215 : i32
    %scan3A_217 = arith.constant 1 : i32
    scf.for %scan3A_308 = %scan3A_214 to %scan3A_216 step %scan3A_217  : i32 {
      %mul3A_309 = arith.constant 5 : i32
      %mul3A_310 = arith.muli %scan3A_308, %mul3A_309 : i32
      %add3A_311 = arith.constant 0 : i32
      %add3A_312 = arith.addi %mul3A_310, %add3A_311 : i32
      %dma_wait3A_313 = arith.constant 0 : i32
      %dma_wait3A_314 = arith.constant 0 : i32
      %dma_wait3A_315 = tpu.memref_slice %arg4[%dma_wait3A_313, %dma_wait3A_314] : memref<819200x32xf32, #tpu.memory_space<hbm>> -> memref<512x32xf32, #tpu.memory_space<hbm>>
      %dma_wait3A_316 = arith.constant 0 : i32
      %dma_wait3A_317 = arith.constant 0 : i32
      %dma_wait3A_318 = tpu.memref_slice %arg4[%dma_wait3A_316, %dma_wait3A_317] : memref<819200x32xf32, #tpu.memory_space<hbm>> -> memref<512x32xf32, #tpu.memory_space<hbm>>
      tpu.wait_dma2 semaphore(%arg15 : memref<!tpu.dma_semaphore, #tpu.memory_space<semaphore_mem>>) src(%dma_wait3A_318 : memref<512x32xf32, #tpu.memory_space<hbm>>) dst(%arg10 : memref<512x32xf32, #tpu.memory_space<vmem>>)
      %mul3A_319 = arith.constant 512 : i32
      %mul3A_320 = arith.muli %add3A_312, %mul3A_319 : i32
      %add3A_321 = arith.addi %mul3A_4, %mul3A_320 : i32
      %dma_start3A_322 = arith.constant 0 : i32
      %dma_start3A_323 = tpu.memref_slice %arg4[%add3A_321, %dma_start3A_322] : memref<819200x32xf32, #tpu.memory_space<hbm>> -> memref<512x32xf32, #tpu.memory_space<hbm>>
      %dma_start3A_324 = arith.constant 0 : i32
      %dma_start3A_325 = tpu.memref_slice %arg4[%add3A_321, %dma_start3A_324] : memref<819200x32xf32, #tpu.memory_space<hbm>> -> memref<512x32xf32, #tpu.memory_space<hbm>>
      tpu.enqueue_dma source(%arg10 : memref<512x32xf32, #tpu.memory_space<vmem>>) target(%dma_start3A_325 : memref<512x32xf32, #tpu.memory_space<hbm>>) target_semaphore(%arg20 : memref<!tpu.dma_semaphore, #tpu.memory_space<semaphore_mem>>)
      %add3A_326 = arith.constant 5 : i32
      %add3A_327 = arith.addi %add3A_312, %add3A_326 : i32
      %mul3A_328 = arith.constant 4 : i32
      %mul3A_329 = arith.muli %add3A_327, %mul3A_328 : i32
      %add3A_330 = arith.addi %mul3A_2, %mul3A_329 : i32
      "tpu.region"() ({
        %run_scoped3A = tpu.sem_alloc : memref<!tpu.dma_semaphore, #tpu.memory_space<semaphore_mem>>
        %dma_start3A_641 = arith.constant 0 : i32
        %dma_start3A_642 = tpu.memref_slice %arg2[%add3A_330, %dma_start3A_641] : memref<6400x128xi32, #tpu.memory_space<hbm>> -> memref<4x128xi32, #tpu.memory_space<hbm>>
        %dma_start3A_643 = arith.constant 0 : i32
        %dma_start3A_644 = tpu.memref_slice %arg2[%add3A_330, %dma_start3A_643] : memref<6400x128xi32, #tpu.memory_space<hbm>> -> memref<4x128xi32, #tpu.memory_space<hbm>>
        tpu.enqueue_dma source(%dma_start3A_644 : memref<4x128xi32, #tpu.memory_space<hbm>>) target(%arg5 : memref<4x128xi32, #tpu.memory_space<vmem>>) target_semaphore(%run_scoped3A : memref<!tpu.dma_semaphore, #tpu.memory_space<semaphore_mem>>)
        %dma_wait3A_645 = arith.constant 0 : i32
        %dma_wait3A_646 = tpu.memref_slice %arg2[%add3A_330, %dma_wait3A_645] : memref<6400x128xi32, #tpu.memory_space<hbm>> -> memref<4x128xi32, #tpu.memory_space<hbm>>
        %dma_wait3A_647 = arith.constant 0 : i32
        %dma_wait3A_648 = tpu.memref_slice %arg2[%add3A_330, %dma_wait3A_647] : memref<6400x128xi32, #tpu.memory_space<hbm>> -> memref<4x128xi32, #tpu.memory_space<hbm>>
        tpu.wait_dma2 semaphore(%run_scoped3A : memref<!tpu.dma_semaphore, #tpu.memory_space<semaphore_mem>>) src(%dma_wait3A_648 : memref<4x128xi32, #tpu.memory_space<hbm>>) dst(%arg5 : memref<4x128xi32, #tpu.memory_space<vmem>>)
        tpu.yield
      }) : () -> ()
      %dma_wait3A_331 = arith.constant 0 : i32
      %dma_wait3A_332 = arith.constant 0 : i32
      %dma_wait3A_333 = tpu.memref_slice %arg4[%dma_wait3A_331, %dma_wait3A_332] : memref<819200x32xf32, #tpu.memory_space<hbm>> -> memref<512x32xf32, #tpu.memory_space<hbm>>
      %dma_wait3A_334 = arith.constant 0 : i32
      %dma_wait3A_335 = arith.constant 0 : i32
      %dma_wait3A_336 = tpu.memref_slice %arg4[%dma_wait3A_334, %dma_wait3A_335] : memref<819200x32xf32, #tpu.memory_space<hbm>> -> memref<512x32xf32, #tpu.memory_space<hbm>>
      tpu.wait_dma2 semaphore(%arg20 : memref<!tpu.dma_semaphore, #tpu.memory_space<semaphore_mem>>) src(%arg10 : memref<512x32xf32, #tpu.memory_space<vmem>>) dst(%dma_wait3A_336 : memref<512x32xf32, #tpu.memory_space<hbm>>)
      %dma_start3A_337 = arith.constant 0 : i32
      %dma_start3A_338 = arith.constant 0 : i32
      %dma_start3A_339 = arith.constant 0 : i32
      %dma_start3A_340 = tpu.memref_slice %arg10[%dma_start3A_338, %dma_start3A_339] : memref<512x32xf32, #tpu.memory_space<vmem>> -> memref<128x32xf32, #tpu.memory_space<vmem>>
      %dma_start3A_341 = arith.constant 0 : i32
      %dma_start3A_342 = tpu.memref_slice %arg5[%dma_start3A_337, %dma_start3A_341] : memref<4x128xi32, #tpu.memory_space<vmem>> -> memref<1x128xi32, #tpu.memory_space<vmem>>
      %dma_start3A_343 = tpu.memref_squeeze %dma_start3A_342 : memref<1x128xi32, #tpu.memory_space<vmem>> -> memref<128xi32, #tpu.memory_space<vmem>>
      %dma_start3A_344 = arith.constant 0 : i32
      %dma_start3A_345 = arith.constant 0 : i32
      %dma_start3A_346 = tpu.memref_slice %arg3[%dma_start3A_344, %dma_start3A_345] : memref<1000001x32xf32, #tpu.memory_space<hbm>> -> memref<1000001x32xf32, #tpu.memory_space<hbm>>
      tpu.enqueue_indirect_dma source(%dma_start3A_346 : memref<1000001x32xf32, #tpu.memory_space<hbm>>) target(%dma_start3A_340 : memref<128x32xf32, #tpu.memory_space<vmem>>) offsets(%dma_start3A_343 : memref<128xi32, #tpu.memory_space<vmem>>) semaphore(%arg15 : memref<!tpu.dma_semaphore, #tpu.memory_space<semaphore_mem>>)
      %dma_start3A_347 = arith.constant 1 : i32
      %dma_start3A_348 = arith.constant 128 : i32
      %dma_start3A_349 = arith.constant 0 : i32
      %dma_start3A_350 = tpu.memref_slice %arg10[%dma_start3A_348, %dma_start3A_349] : memref<512x32xf32, #tpu.memory_space<vmem>> -> memref<128x32xf32, #tpu.memory_space<vmem>>
      %dma_start3A_351 = arith.constant 0 : i32
      %dma_start3A_352 = tpu.memref_slice %arg5[%dma_start3A_347, %dma_start3A_351] : memref<4x128xi32, #tpu.memory_space<vmem>> -> memref<1x128xi32, #tpu.memory_space<vmem>>
      %dma_start3A_353 = tpu.memref_squeeze %dma_start3A_352 : memref<1x128xi32, #tpu.memory_space<vmem>> -> memref<128xi32, #tpu.memory_space<vmem>>
      %dma_start3A_354 = arith.constant 0 : i32
      %dma_start3A_355 = arith.constant 0 : i32
      %dma_start3A_356 = tpu.memref_slice %arg3[%dma_start3A_354, %dma_start3A_355] : memref<1000001x32xf32, #tpu.memory_space<hbm>> -> memref<1000001x32xf32, #tpu.memory_space<hbm>>
      tpu.enqueue_indirect_dma source(%dma_start3A_356 : memref<1000001x32xf32, #tpu.memory_space<hbm>>) target(%dma_start3A_350 : memref<128x32xf32, #tpu.memory_space<vmem>>) offsets(%dma_start3A_353 : memref<128xi32, #tpu.memory_space<vmem>>) semaphore(%arg15 : memref<!tpu.dma_semaphore, #tpu.memory_space<semaphore_mem>>)
      %dma_start3A_357 = arith.constant 2 : i32
      %dma_start3A_358 = arith.constant 256 : i32
      %dma_start3A_359 = arith.constant 0 : i32
      %dma_start3A_360 = tpu.memref_slice %arg10[%dma_start3A_358, %dma_start3A_359] : memref<512x32xf32, #tpu.memory_space<vmem>> -> memref<128x32xf32, #tpu.memory_space<vmem>>
      %dma_start3A_361 = arith.constant 0 : i32
      %dma_start3A_362 = tpu.memref_slice %arg5[%dma_start3A_357, %dma_start3A_361] : memref<4x128xi32, #tpu.memory_space<vmem>> -> memref<1x128xi32, #tpu.memory_space<vmem>>
      %dma_start3A_363 = tpu.memref_squeeze %dma_start3A_362 : memref<1x128xi32, #tpu.memory_space<vmem>> -> memref<128xi32, #tpu.memory_space<vmem>>
      %dma_start3A_364 = arith.constant 0 : i32
      %dma_start3A_365 = arith.constant 0 : i32
      %dma_start3A_366 = tpu.memref_slice %arg3[%dma_start3A_364, %dma_start3A_365] : memref<1000001x32xf32, #tpu.memory_space<hbm>> -> memref<1000001x32xf32, #tpu.memory_space<hbm>>
      tpu.enqueue_indirect_dma source(%dma_start3A_366 : memref<1000001x32xf32, #tpu.memory_space<hbm>>) target(%dma_start3A_360 : memref<128x32xf32, #tpu.memory_space<vmem>>) offsets(%dma_start3A_363 : memref<128xi32, #tpu.memory_space<vmem>>) semaphore(%arg15 : memref<!tpu.dma_semaphore, #tpu.memory_space<semaphore_mem>>)
      %dma_start3A_367 = arith.constant 3 : i32
      %dma_start3A_368 = arith.constant 384 : i32
      %dma_start3A_369 = arith.constant 0 : i32
      %dma_start3A_370 = tpu.memref_slice %arg10[%dma_start3A_368, %dma_start3A_369] : memref<512x32xf32, #tpu.memory_space<vmem>> -> memref<128x32xf32, #tpu.memory_space<vmem>>
      %dma_start3A_371 = arith.constant 0 : i32
      %dma_start3A_372 = tpu.memref_slice %arg5[%dma_start3A_367, %dma_start3A_371] : memref<4x128xi32, #tpu.memory_space<vmem>> -> memref<1x128xi32, #tpu.memory_space<vmem>>
      %dma_start3A_373 = tpu.memref_squeeze %dma_start3A_372 : memref<1x128xi32, #tpu.memory_space<vmem>> -> memref<128xi32, #tpu.memory_space<vmem>>
      %dma_start3A_374 = arith.constant 0 : i32
      %dma_start3A_375 = arith.constant 0 : i32
      %dma_start3A_376 = tpu.memref_slice %arg3[%dma_start3A_374, %dma_start3A_375] : memref<1000001x32xf32, #tpu.memory_space<hbm>> -> memref<1000001x32xf32, #tpu.memory_space<hbm>>
      tpu.enqueue_indirect_dma source(%dma_start3A_376 : memref<1000001x32xf32, #tpu.memory_space<hbm>>) target(%dma_start3A_370 : memref<128x32xf32, #tpu.memory_space<vmem>>) offsets(%dma_start3A_373 : memref<128xi32, #tpu.memory_space<vmem>>) semaphore(%arg15 : memref<!tpu.dma_semaphore, #tpu.memory_space<semaphore_mem>>)
      %add3A_377 = arith.constant 1 : i32
      %add3A_378 = arith.addi %mul3A_310, %add3A_377 : i32
      %dma_wait3A_379 = arith.constant 0 : i32
      %dma_wait3A_380 = arith.constant 0 : i32
      %dma_wait3A_381 = tpu.memref_slice %arg4[%dma_wait3A_379, %dma_wait3A_380] : memref<819200x32xf32, #tpu.memory_space<hbm>> -> memref<512x32xf32, #tpu.memory_space<hbm>>
      %dma_wait3A_382 = arith.constant 0 : i32
      %dma_wait3A_383 = arith.constant 0 : i32
      %dma_wait3A_384 = tpu.memref_slice %arg4[%dma_wait3A_382, %dma_wait3A_383] : memref<819200x32xf32, #tpu.memory_space<hbm>> -> memref<512x32xf32, #tpu.memory_space<hbm>>
      tpu.wait_dma2 semaphore(%arg16 : memref<!tpu.dma_semaphore, #tpu.memory_space<semaphore_mem>>) src(%dma_wait3A_384 : memref<512x32xf32, #tpu.memory_space<hbm>>) dst(%arg11 : memref<512x32xf32, #tpu.memory_space<vmem>>)
      %mul3A_385 = arith.constant 512 : i32
      %mul3A_386 = arith.muli %add3A_378, %mul3A_385 : i32
      %add3A_387 = arith.addi %mul3A_4, %mul3A_386 : i32
      %dma_start3A_388 = arith.constant 0 : i32
      %dma_start3A_389 = tpu.memref_slice %arg4[%add3A_387, %dma_start3A_388] : memref<819200x32xf32, #tpu.memory_space<hbm>> -> memref<512x32xf32, #tpu.memory_space<hbm>>
      %dma_start3A_390 = arith.constant 0 : i32
      %dma_start3A_391 = tpu.memref_slice %arg4[%add3A_387, %dma_start3A_390] : memref<819200x32xf32, #tpu.memory_space<hbm>> -> memref<512x32xf32, #tpu.memory_space<hbm>>
      tpu.enqueue_dma source(%arg11 : memref<512x32xf32, #tpu.memory_space<vmem>>) target(%dma_start3A_391 : memref<512x32xf32, #tpu.memory_space<hbm>>) target_semaphore(%arg21 : memref<!tpu.dma_semaphore, #tpu.memory_space<semaphore_mem>>)
      %add3A_392 = arith.constant 5 : i32
      %add3A_393 = arith.addi %add3A_378, %add3A_392 : i32
      %mul3A_394 = arith.constant 4 : i32
      %mul3A_395 = arith.muli %add3A_393, %mul3A_394 : i32
      %add3A_396 = arith.addi %mul3A_2, %mul3A_395 : i32
      "tpu.region"() ({
        %run_scoped3A = tpu.sem_alloc : memref<!tpu.dma_semaphore, #tpu.memory_space<semaphore_mem>>
        %dma_start3A_641 = arith.constant 0 : i32
        %dma_start3A_642 = tpu.memref_slice %arg2[%add3A_396, %dma_start3A_641] : memref<6400x128xi32, #tpu.memory_space<hbm>> -> memref<4x128xi32, #tpu.memory_space<hbm>>
        %dma_start3A_643 = arith.constant 0 : i32
        %dma_start3A_644 = tpu.memref_slice %arg2[%add3A_396, %dma_start3A_643] : memref<6400x128xi32, #tpu.memory_space<hbm>> -> memref<4x128xi32, #tpu.memory_space<hbm>>
        tpu.enqueue_dma source(%dma_start3A_644 : memref<4x128xi32, #tpu.memory_space<hbm>>) target(%arg6 : memref<4x128xi32, #tpu.memory_space<vmem>>) target_semaphore(%run_scoped3A : memref<!tpu.dma_semaphore, #tpu.memory_space<semaphore_mem>>)
        %dma_wait3A_645 = arith.constant 0 : i32
        %dma_wait3A_646 = tpu.memref_slice %arg2[%add3A_396, %dma_wait3A_645] : memref<6400x128xi32, #tpu.memory_space<hbm>> -> memref<4x128xi32, #tpu.memory_space<hbm>>
        %dma_wait3A_647 = arith.constant 0 : i32
        %dma_wait3A_648 = tpu.memref_slice %arg2[%add3A_396, %dma_wait3A_647] : memref<6400x128xi32, #tpu.memory_space<hbm>> -> memref<4x128xi32, #tpu.memory_space<hbm>>
        tpu.wait_dma2 semaphore(%run_scoped3A : memref<!tpu.dma_semaphore, #tpu.memory_space<semaphore_mem>>) src(%dma_wait3A_648 : memref<4x128xi32, #tpu.memory_space<hbm>>) dst(%arg6 : memref<4x128xi32, #tpu.memory_space<vmem>>)
        tpu.yield
      }) : () -> ()
      %dma_wait3A_397 = arith.constant 0 : i32
      %dma_wait3A_398 = arith.constant 0 : i32
      %dma_wait3A_399 = tpu.memref_slice %arg4[%dma_wait3A_397, %dma_wait3A_398] : memref<819200x32xf32, #tpu.memory_space<hbm>> -> memref<512x32xf32, #tpu.memory_space<hbm>>
      %dma_wait3A_400 = arith.constant 0 : i32
      %dma_wait3A_401 = arith.constant 0 : i32
      %dma_wait3A_402 = tpu.memref_slice %arg4[%dma_wait3A_400, %dma_wait3A_401] : memref<819200x32xf32, #tpu.memory_space<hbm>> -> memref<512x32xf32, #tpu.memory_space<hbm>>
      tpu.wait_dma2 semaphore(%arg21 : memref<!tpu.dma_semaphore, #tpu.memory_space<semaphore_mem>>) src(%arg11 : memref<512x32xf32, #tpu.memory_space<vmem>>) dst(%dma_wait3A_402 : memref<512x32xf32, #tpu.memory_space<hbm>>)
      %dma_start3A_403 = arith.constant 0 : i32
      %dma_start3A_404 = arith.constant 0 : i32
      %dma_start3A_405 = arith.constant 0 : i32
      %dma_start3A_406 = tpu.memref_slice %arg11[%dma_start3A_404, %dma_start3A_405] : memref<512x32xf32, #tpu.memory_space<vmem>> -> memref<128x32xf32, #tpu.memory_space<vmem>>
      %dma_start3A_407 = arith.constant 0 : i32
      %dma_start3A_408 = tpu.memref_slice %arg6[%dma_start3A_403, %dma_start3A_407] : memref<4x128xi32, #tpu.memory_space<vmem>> -> memref<1x128xi32, #tpu.memory_space<vmem>>
      %dma_start3A_409 = tpu.memref_squeeze %dma_start3A_408 : memref<1x128xi32, #tpu.memory_space<vmem>> -> memref<128xi32, #tpu.memory_space<vmem>>
      %dma_start3A_410 = arith.constant 0 : i32
      %dma_start3A_411 = arith.constant 0 : i32
      %dma_start3A_412 = tpu.memref_slice %arg3[%dma_start3A_410, %dma_start3A_411] : memref<1000001x32xf32, #tpu.memory_space<hbm>> -> memref<1000001x32xf32, #tpu.memory_space<hbm>>
      tpu.enqueue_indirect_dma source(%dma_start3A_412 : memref<1000001x32xf32, #tpu.memory_space<hbm>>) target(%dma_start3A_406 : memref<128x32xf32, #tpu.memory_space<vmem>>) offsets(%dma_start3A_409 : memref<128xi32, #tpu.memory_space<vmem>>) semaphore(%arg16 : memref<!tpu.dma_semaphore, #tpu.memory_space<semaphore_mem>>)
      %dma_start3A_413 = arith.constant 1 : i32
      %dma_start3A_414 = arith.constant 128 : i32
      %dma_start3A_415 = arith.constant 0 : i32
      %dma_start3A_416 = tpu.memref_slice %arg11[%dma_start3A_414, %dma_start3A_415] : memref<512x32xf32, #tpu.memory_space<vmem>> -> memref<128x32xf32, #tpu.memory_space<vmem>>
      %dma_start3A_417 = arith.constant 0 : i32
      %dma_start3A_418 = tpu.memref_slice %arg6[%dma_start3A_413, %dma_start3A_417] : memref<4x128xi32, #tpu.memory_space<vmem>> -> memref<1x128xi32, #tpu.memory_space<vmem>>
      %dma_start3A_419 = tpu.memref_squeeze %dma_start3A_418 : memref<1x128xi32, #tpu.memory_space<vmem>> -> memref<128xi32, #tpu.memory_space<vmem>>
      %dma_start3A_420 = arith.constant 0 : i32
      %dma_start3A_421 = arith.constant 0 : i32
      %dma_start3A_422 = tpu.memref_slice %arg3[%dma_start3A_420, %dma_start3A_421] : memref<1000001x32xf32, #tpu.memory_space<hbm>> -> memref<1000001x32xf32, #tpu.memory_space<hbm>>
      tpu.enqueue_indirect_dma source(%dma_start3A_422 : memref<1000001x32xf32, #tpu.memory_space<hbm>>) target(%dma_start3A_416 : memref<128x32xf32, #tpu.memory_space<vmem>>) offsets(%dma_start3A_419 : memref<128xi32, #tpu.memory_space<vmem>>) semaphore(%arg16 : memref<!tpu.dma_semaphore, #tpu.memory_space<semaphore_mem>>)
      %dma_start3A_423 = arith.constant 2 : i32
      %dma_start3A_424 = arith.constant 256 : i32
      %dma_start3A_425 = arith.constant 0 : i32
      %dma_start3A_426 = tpu.memref_slice %arg11[%dma_start3A_424, %dma_start3A_425] : memref<512x32xf32, #tpu.memory_space<vmem>> -> memref<128x32xf32, #tpu.memory_space<vmem>>
      %dma_start3A_427 = arith.constant 0 : i32
      %dma_start3A_428 = tpu.memref_slice %arg6[%dma_start3A_423, %dma_start3A_427] : memref<4x128xi32, #tpu.memory_space<vmem>> -> memref<1x128xi32, #tpu.memory_space<vmem>>
      %dma_start3A_429 = tpu.memref_squeeze %dma_start3A_428 : memref<1x128xi32, #tpu.memory_space<vmem>> -> memref<128xi32, #tpu.memory_space<vmem>>
      %dma_start3A_430 = arith.constant 0 : i32
      %dma_start3A_431 = arith.constant 0 : i32
      %dma_start3A_432 = tpu.memref_slice %arg3[%dma_start3A_430, %dma_start3A_431] : memref<1000001x32xf32, #tpu.memory_space<hbm>> -> memref<1000001x32xf32, #tpu.memory_space<hbm>>
      tpu.enqueue_indirect_dma source(%dma_start3A_432 : memref<1000001x32xf32, #tpu.memory_space<hbm>>) target(%dma_start3A_426 : memref<128x32xf32, #tpu.memory_space<vmem>>) offsets(%dma_start3A_429 : memref<128xi32, #tpu.memory_space<vmem>>) semaphore(%arg16 : memref<!tpu.dma_semaphore, #tpu.memory_space<semaphore_mem>>)
      %dma_start3A_433 = arith.constant 3 : i32
      %dma_start3A_434 = arith.constant 384 : i32
      %dma_start3A_435 = arith.constant 0 : i32
      %dma_start3A_436 = tpu.memref_slice %arg11[%dma_start3A_434, %dma_start3A_435] : memref<512x32xf32, #tpu.memory_space<vmem>> -> memref<128x32xf32, #tpu.memory_space<vmem>>
      %dma_start3A_437 = arith.constant 0 : i32
      %dma_start3A_438 = tpu.memref_slice %arg6[%dma_start3A_433, %dma_start3A_437] : memref<4x128xi32, #tpu.memory_space<vmem>> -> memref<1x128xi32, #tpu.memory_space<vmem>>
      %dma_start3A_439 = tpu.memref_squeeze %dma_start3A_438 : memref<1x128xi32, #tpu.memory_space<vmem>> -> memref<128xi32, #tpu.memory_space<vmem>>
      %dma_start3A_440 = arith.constant 0 : i32
      %dma_start3A_441 = arith.constant 0 : i32
      %dma_start3A_442 = tpu.memref_slice %arg3[%dma_start3A_440, %dma_start3A_441] : memref<1000001x32xf32, #tpu.memory_space<hbm>> -> memref<1000001x32xf32, #tpu.memory_space<hbm>>
      tpu.enqueue_indirect_dma source(%dma_start3A_442 : memref<1000001x32xf32, #tpu.memory_space<hbm>>) target(%dma_start3A_436 : memref<128x32xf32, #tpu.memory_space<vmem>>) offsets(%dma_start3A_439 : memref<128xi32, #tpu.memory_space<vmem>>) semaphore(%arg16 : memref<!tpu.dma_semaphore, #tpu.memory_space<semaphore_mem>>)
      %add3A_443 = arith.constant 2 : i32
      %add3A_444 = arith.addi %mul3A_310, %add3A_443 : i32
      %dma_wait3A_445 = arith.constant 0 : i32
      %dma_wait3A_446 = arith.constant 0 : i32
      %dma_wait3A_447 = tpu.memref_slice %arg4[%dma_wait3A_445, %dma_wait3A_446] : memref<819200x32xf32, #tpu.memory_space<hbm>> -> memref<512x32xf32, #tpu.memory_space<hbm>>
      %dma_wait3A_448 = arith.constant 0 : i32
      %dma_wait3A_449 = arith.constant 0 : i32
      %dma_wait3A_450 = tpu.memref_slice %arg4[%dma_wait3A_448, %dma_wait3A_449] : memref<819200x32xf32, #tpu.memory_space<hbm>> -> memref<512x32xf32, #tpu.memory_space<hbm>>
      tpu.wait_dma2 semaphore(%arg17 : memref<!tpu.dma_semaphore, #tpu.memory_space<semaphore_mem>>) src(%dma_wait3A_450 : memref<512x32xf32, #tpu.memory_space<hbm>>) dst(%arg12 : memref<512x32xf32, #tpu.memory_space<vmem>>)
      %mul3A_451 = arith.constant 512 : i32
      %mul3A_452 = arith.muli %add3A_444, %mul3A_451 : i32
      %add3A_453 = arith.addi %mul3A_4, %mul3A_452 : i32
      %dma_start3A_454 = arith.constant 0 : i32
      %dma_start3A_455 = tpu.memref_slice %arg4[%add3A_453, %dma_start3A_454] : memref<819200x32xf32, #tpu.memory_space<hbm>> -> memref<512x32xf32, #tpu.memory_space<hbm>>
      %dma_start3A_456 = arith.constant 0 : i32
      %dma_start3A_457 = tpu.memref_slice %arg4[%add3A_453, %dma_start3A_456] : memref<819200x32xf32, #tpu.memory_space<hbm>> -> memref<512x32xf32, #tpu.memory_space<hbm>>
      tpu.enqueue_dma source(%arg12 : memref<512x32xf32, #tpu.memory_space<vmem>>) target(%dma_start3A_457 : memref<512x32xf32, #tpu.memory_space<hbm>>) target_semaphore(%arg22 : memref<!tpu.dma_semaphore, #tpu.memory_space<semaphore_mem>>)
      %add3A_458 = arith.constant 5 : i32
      %add3A_459 = arith.addi %add3A_444, %add3A_458 : i32
      %mul3A_460 = arith.constant 4 : i32
      %mul3A_461 = arith.muli %add3A_459, %mul3A_460 : i32
      %add3A_462 = arith.addi %mul3A_2, %mul3A_461 : i32
      "tpu.region"() ({
        %run_scoped3A = tpu.sem_alloc : memref<!tpu.dma_semaphore, #tpu.memory_space<semaphore_mem>>
        %dma_start3A_641 = arith.constant 0 : i32
        %dma_start3A_642 = tpu.memref_slice %arg2[%add3A_462, %dma_start3A_641] : memref<6400x128xi32, #tpu.memory_space<hbm>> -> memref<4x128xi32, #tpu.memory_space<hbm>>
        %dma_start3A_643 = arith.constant 0 : i32
        %dma_start3A_644 = tpu.memref_slice %arg2[%add3A_462, %dma_start3A_643] : memref<6400x128xi32, #tpu.memory_space<hbm>> -> memref<4x128xi32, #tpu.memory_space<hbm>>
        tpu.enqueue_dma source(%dma_start3A_644 : memref<4x128xi32, #tpu.memory_space<hbm>>) target(%arg7 : memref<4x128xi32, #tpu.memory_space<vmem>>) target_semaphore(%run_scoped3A : memref<!tpu.dma_semaphore, #tpu.memory_space<semaphore_mem>>)
        %dma_wait3A_645 = arith.constant 0 : i32
        %dma_wait3A_646 = tpu.memref_slice %arg2[%add3A_462, %dma_wait3A_645] : memref<6400x128xi32, #tpu.memory_space<hbm>> -> memref<4x128xi32, #tpu.memory_space<hbm>>
        %dma_wait3A_647 = arith.constant 0 : i32
        %dma_wait3A_648 = tpu.memref_slice %arg2[%add3A_462, %dma_wait3A_647] : memref<6400x128xi32, #tpu.memory_space<hbm>> -> memref<4x128xi32, #tpu.memory_space<hbm>>
        tpu.wait_dma2 semaphore(%run_scoped3A : memref<!tpu.dma_semaphore, #tpu.memory_space<semaphore_mem>>) src(%dma_wait3A_648 : memref<4x128xi32, #tpu.memory_space<hbm>>) dst(%arg7 : memref<4x128xi32, #tpu.memory_space<vmem>>)
        tpu.yield
      }) : () -> ()
      %dma_wait3A_463 = arith.constant 0 : i32
      %dma_wait3A_464 = arith.constant 0 : i32
      %dma_wait3A_465 = tpu.memref_slice %arg4[%dma_wait3A_463, %dma_wait3A_464] : memref<819200x32xf32, #tpu.memory_space<hbm>> -> memref<512x32xf32, #tpu.memory_space<hbm>>
      %dma_wait3A_466 = arith.constant 0 : i32
      %dma_wait3A_467 = arith.constant 0 : i32
      %dma_wait3A_468 = tpu.memref_slice %arg4[%dma_wait3A_466, %dma_wait3A_467] : memref<819200x32xf32, #tpu.memory_space<hbm>> -> memref<512x32xf32, #tpu.memory_space<hbm>>
      tpu.wait_dma2 semaphore(%arg22 : memref<!tpu.dma_semaphore, #tpu.memory_space<semaphore_mem>>) src(%arg12 : memref<512x32xf32, #tpu.memory_space<vmem>>) dst(%dma_wait3A_468 : memref<512x32xf32, #tpu.memory_space<hbm>>)
      %dma_start3A_469 = arith.constant 0 : i32
      %dma_start3A_470 = arith.constant 0 : i32
      %dma_start3A_471 = arith.constant 0 : i32
      %dma_start3A_472 = tpu.memref_slice %arg12[%dma_start3A_470, %dma_start3A_471] : memref<512x32xf32, #tpu.memory_space<vmem>> -> memref<128x32xf32, #tpu.memory_space<vmem>>
      %dma_start3A_473 = arith.constant 0 : i32
      %dma_start3A_474 = tpu.memref_slice %arg7[%dma_start3A_469, %dma_start3A_473] : memref<4x128xi32, #tpu.memory_space<vmem>> -> memref<1x128xi32, #tpu.memory_space<vmem>>
      %dma_start3A_475 = tpu.memref_squeeze %dma_start3A_474 : memref<1x128xi32, #tpu.memory_space<vmem>> -> memref<128xi32, #tpu.memory_space<vmem>>
      %dma_start3A_476 = arith.constant 0 : i32
      %dma_start3A_477 = arith.constant 0 : i32
      %dma_start3A_478 = tpu.memref_slice %arg3[%dma_start3A_476, %dma_start3A_477] : memref<1000001x32xf32, #tpu.memory_space<hbm>> -> memref<1000001x32xf32, #tpu.memory_space<hbm>>
      tpu.enqueue_indirect_dma source(%dma_start3A_478 : memref<1000001x32xf32, #tpu.memory_space<hbm>>) target(%dma_start3A_472 : memref<128x32xf32, #tpu.memory_space<vmem>>) offsets(%dma_start3A_475 : memref<128xi32, #tpu.memory_space<vmem>>) semaphore(%arg17 : memref<!tpu.dma_semaphore, #tpu.memory_space<semaphore_mem>>)
      %dma_start3A_479 = arith.constant 1 : i32
      %dma_start3A_480 = arith.constant 128 : i32
      %dma_start3A_481 = arith.constant 0 : i32
      %dma_start3A_482 = tpu.memref_slice %arg12[%dma_start3A_480, %dma_start3A_481] : memref<512x32xf32, #tpu.memory_space<vmem>> -> memref<128x32xf32, #tpu.memory_space<vmem>>
      %dma_start3A_483 = arith.constant 0 : i32
      %dma_start3A_484 = tpu.memref_slice %arg7[%dma_start3A_479, %dma_start3A_483] : memref<4x128xi32, #tpu.memory_space<vmem>> -> memref<1x128xi32, #tpu.memory_space<vmem>>
      %dma_start3A_485 = tpu.memref_squeeze %dma_start3A_484 : memref<1x128xi32, #tpu.memory_space<vmem>> -> memref<128xi32, #tpu.memory_space<vmem>>
      %dma_start3A_486 = arith.constant 0 : i32
      %dma_start3A_487 = arith.constant 0 : i32
      %dma_start3A_488 = tpu.memref_slice %arg3[%dma_start3A_486, %dma_start3A_487] : memref<1000001x32xf32, #tpu.memory_space<hbm>> -> memref<1000001x32xf32, #tpu.memory_space<hbm>>
      tpu.enqueue_indirect_dma source(%dma_start3A_488 : memref<1000001x32xf32, #tpu.memory_space<hbm>>) target(%dma_start3A_482 : memref<128x32xf32, #tpu.memory_space<vmem>>) offsets(%dma_start3A_485 : memref<128xi32, #tpu.memory_space<vmem>>) semaphore(%arg17 : memref<!tpu.dma_semaphore, #tpu.memory_space<semaphore_mem>>)
      %dma_start3A_489 = arith.constant 2 : i32
      %dma_start3A_490 = arith.constant 256 : i32
      %dma_start3A_491 = arith.constant 0 : i32
      %dma_start3A_492 = tpu.memref_slice %arg12[%dma_start3A_490, %dma_start3A_491] : memref<512x32xf32, #tpu.memory_space<vmem>> -> memref<128x32xf32, #tpu.memory_space<vmem>>
      %dma_start3A_493 = arith.constant 0 : i32
      %dma_start3A_494 = tpu.memref_slice %arg7[%dma_start3A_489, %dma_start3A_493] : memref<4x128xi32, #tpu.memory_space<vmem>> -> memref<1x128xi32, #tpu.memory_space<vmem>>
      %dma_start3A_495 = tpu.memref_squeeze %dma_start3A_494 : memref<1x128xi32, #tpu.memory_space<vmem>> -> memref<128xi32, #tpu.memory_space<vmem>>
      %dma_start3A_496 = arith.constant 0 : i32
      %dma_start3A_497 = arith.constant 0 : i32
      %dma_start3A_498 = tpu.memref_slice %arg3[%dma_start3A_496, %dma_start3A_497] : memref<1000001x32xf32, #tpu.memory_space<hbm>> -> memref<1000001x32xf32, #tpu.memory_space<hbm>>
      tpu.enqueue_indirect_dma source(%dma_start3A_498 : memref<1000001x32xf32, #tpu.memory_space<hbm>>) target(%dma_start3A_492 : memref<128x32xf32, #tpu.memory_space<vmem>>) offsets(%dma_start3A_495 : memref<128xi32, #tpu.memory_space<vmem>>) semaphore(%arg17 : memref<!tpu.dma_semaphore, #tpu.memory_space<semaphore_mem>>)
      %dma_start3A_499 = arith.constant 3 : i32
      %dma_start3A_500 = arith.constant 384 : i32
      %dma_start3A_501 = arith.constant 0 : i32
      %dma_start3A_502 = tpu.memref_slice %arg12[%dma_start3A_500, %dma_start3A_501] : memref<512x32xf32, #tpu.memory_space<vmem>> -> memref<128x32xf32, #tpu.memory_space<vmem>>
      %dma_start3A_503 = arith.constant 0 : i32
      %dma_start3A_504 = tpu.memref_slice %arg7[%dma_start3A_499, %dma_start3A_503] : memref<4x128xi32, #tpu.memory_space<vmem>> -> memref<1x128xi32, #tpu.memory_space<vmem>>
      %dma_start3A_505 = tpu.memref_squeeze %dma_start3A_504 : memref<1x128xi32, #tpu.memory_space<vmem>> -> memref<128xi32, #tpu.memory_space<vmem>>
      %dma_start3A_506 = arith.constant 0 : i32
      %dma_start3A_507 = arith.constant 0 : i32
      %dma_start3A_508 = tpu.memref_slice %arg3[%dma_start3A_506, %dma_start3A_507] : memref<1000001x32xf32, #tpu.memory_space<hbm>> -> memref<1000001x32xf32, #tpu.memory_space<hbm>>
      tpu.enqueue_indirect_dma source(%dma_start3A_508 : memref<1000001x32xf32, #tpu.memory_space<hbm>>) target(%dma_start3A_502 : memref<128x32xf32, #tpu.memory_space<vmem>>) offsets(%dma_start3A_505 : memref<128xi32, #tpu.memory_space<vmem>>) semaphore(%arg17 : memref<!tpu.dma_semaphore, #tpu.memory_space<semaphore_mem>>)
      %add3A_509 = arith.constant 3 : i32
      %add3A_510 = arith.addi %mul3A_310, %add3A_509 : i32
      %dma_wait3A_511 = arith.constant 0 : i32
      %dma_wait3A_512 = arith.constant 0 : i32
      %dma_wait3A_513 = tpu.memref_slice %arg4[%dma_wait3A_511, %dma_wait3A_512] : memref<819200x32xf32, #tpu.memory_space<hbm>> -> memref<512x32xf32, #tpu.memory_space<hbm>>
      %dma_wait3A_514 = arith.constant 0 : i32
      %dma_wait3A_515 = arith.constant 0 : i32
      %dma_wait3A_516 = tpu.memref_slice %arg4[%dma_wait3A_514, %dma_wait3A_515] : memref<819200x32xf32, #tpu.memory_space<hbm>> -> memref<512x32xf32, #tpu.memory_space<hbm>>
      tpu.wait_dma2 semaphore(%arg18 : memref<!tpu.dma_semaphore, #tpu.memory_space<semaphore_mem>>) src(%dma_wait3A_516 : memref<512x32xf32, #tpu.memory_space<hbm>>) dst(%arg13 : memref<512x32xf32, #tpu.memory_space<vmem>>)
      %mul3A_517 = arith.constant 512 : i32
      %mul3A_518 = arith.muli %add3A_510, %mul3A_517 : i32
      %add3A_519 = arith.addi %mul3A_4, %mul3A_518 : i32
      %dma_start3A_520 = arith.constant 0 : i32
      %dma_start3A_521 = tpu.memref_slice %arg4[%add3A_519, %dma_start3A_520] : memref<819200x32xf32, #tpu.memory_space<hbm>> -> memref<512x32xf32, #tpu.memory_space<hbm>>
      %dma_start3A_522 = arith.constant 0 : i32
      %dma_start3A_523 = tpu.memref_slice %arg4[%add3A_519, %dma_start3A_522] : memref<819200x32xf32, #tpu.memory_space<hbm>> -> memref<512x32xf32, #tpu.memory_space<hbm>>
      tpu.enqueue_dma source(%arg13 : memref<512x32xf32, #tpu.memory_space<vmem>>) target(%dma_start3A_523 : memref<512x32xf32, #tpu.memory_space<hbm>>) target_semaphore(%arg23 : memref<!tpu.dma_semaphore, #tpu.memory_space<semaphore_mem>>)
      %add3A_524 = arith.constant 5 : i32
      %add3A_525 = arith.addi %add3A_510, %add3A_524 : i32
      %mul3A_526 = arith.constant 4 : i32
      %mul3A_527 = arith.muli %add3A_525, %mul3A_526 : i32
      %add3A_528 = arith.addi %mul3A_2, %mul3A_527 : i32
      "tpu.region"() ({
        %run_scoped3A = tpu.sem_alloc : memref<!tpu.dma_semaphore, #tpu.memory_space<semaphore_mem>>
        %dma_start3A_641 = arith.constant 0 : i32
        %dma_start3A_642 = tpu.memref_slice %arg2[%add3A_528, %dma_start3A_641] : memref<6400x128xi32, #tpu.memory_space<hbm>> -> memref<4x128xi32, #tpu.memory_space<hbm>>
        %dma_start3A_643 = arith.constant 0 : i32
        %dma_start3A_644 = tpu.memref_slice %arg2[%add3A_528, %dma_start3A_643] : memref<6400x128xi32, #tpu.memory_space<hbm>> -> memref<4x128xi32, #tpu.memory_space<hbm>>
        tpu.enqueue_dma source(%dma_start3A_644 : memref<4x128xi32, #tpu.memory_space<hbm>>) target(%arg8 : memref<4x128xi32, #tpu.memory_space<vmem>>) target_semaphore(%run_scoped3A : memref<!tpu.dma_semaphore, #tpu.memory_space<semaphore_mem>>)
        %dma_wait3A_645 = arith.constant 0 : i32
        %dma_wait3A_646 = tpu.memref_slice %arg2[%add3A_528, %dma_wait3A_645] : memref<6400x128xi32, #tpu.memory_space<hbm>> -> memref<4x128xi32, #tpu.memory_space<hbm>>
        %dma_wait3A_647 = arith.constant 0 : i32
        %dma_wait3A_648 = tpu.memref_slice %arg2[%add3A_528, %dma_wait3A_647] : memref<6400x128xi32, #tpu.memory_space<hbm>> -> memref<4x128xi32, #tpu.memory_space<hbm>>
        tpu.wait_dma2 semaphore(%run_scoped3A : memref<!tpu.dma_semaphore, #tpu.memory_space<semaphore_mem>>) src(%dma_wait3A_648 : memref<4x128xi32, #tpu.memory_space<hbm>>) dst(%arg8 : memref<4x128xi32, #tpu.memory_space<vmem>>)
        tpu.yield
      }) : () -> ()
      %dma_wait3A_529 = arith.constant 0 : i32
      %dma_wait3A_530 = arith.constant 0 : i32
      %dma_wait3A_531 = tpu.memref_slice %arg4[%dma_wait3A_529, %dma_wait3A_530] : memref<819200x32xf32, #tpu.memory_space<hbm>> -> memref<512x32xf32, #tpu.memory_space<hbm>>
      %dma_wait3A_532 = arith.constant 0 : i32
      %dma_wait3A_533 = arith.constant 0 : i32
      %dma_wait3A_534 = tpu.memref_slice %arg4[%dma_wait3A_532, %dma_wait3A_533] : memref<819200x32xf32, #tpu.memory_space<hbm>> -> memref<512x32xf32, #tpu.memory_space<hbm>>
      tpu.wait_dma2 semaphore(%arg23 : memref<!tpu.dma_semaphore, #tpu.memory_space<semaphore_mem>>) src(%arg13 : memref<512x32xf32, #tpu.memory_space<vmem>>) dst(%dma_wait3A_534 : memref<512x32xf32, #tpu.memory_space<hbm>>)
      %dma_start3A_535 = arith.constant 0 : i32
      %dma_start3A_536 = arith.constant 0 : i32
      %dma_start3A_537 = arith.constant 0 : i32
      %dma_start3A_538 = tpu.memref_slice %arg13[%dma_start3A_536, %dma_start3A_537] : memref<512x32xf32, #tpu.memory_space<vmem>> -> memref<128x32xf32, #tpu.memory_space<vmem>>
      %dma_start3A_539 = arith.constant 0 : i32
      %dma_start3A_540 = tpu.memref_slice %arg8[%dma_start3A_535, %dma_start3A_539] : memref<4x128xi32, #tpu.memory_space<vmem>> -> memref<1x128xi32, #tpu.memory_space<vmem>>
      %dma_start3A_541 = tpu.memref_squeeze %dma_start3A_540 : memref<1x128xi32, #tpu.memory_space<vmem>> -> memref<128xi32, #tpu.memory_space<vmem>>
      %dma_start3A_542 = arith.constant 0 : i32
      %dma_start3A_543 = arith.constant 0 : i32
      %dma_start3A_544 = tpu.memref_slice %arg3[%dma_start3A_542, %dma_start3A_543] : memref<1000001x32xf32, #tpu.memory_space<hbm>> -> memref<1000001x32xf32, #tpu.memory_space<hbm>>
      tpu.enqueue_indirect_dma source(%dma_start3A_544 : memref<1000001x32xf32, #tpu.memory_space<hbm>>) target(%dma_start3A_538 : memref<128x32xf32, #tpu.memory_space<vmem>>) offsets(%dma_start3A_541 : memref<128xi32, #tpu.memory_space<vmem>>) semaphore(%arg18 : memref<!tpu.dma_semaphore, #tpu.memory_space<semaphore_mem>>)
      %dma_start3A_545 = arith.constant 1 : i32
      %dma_start3A_546 = arith.constant 128 : i32
      %dma_start3A_547 = arith.constant 0 : i32
      %dma_start3A_548 = tpu.memref_slice %arg13[%dma_start3A_546, %dma_start3A_547] : memref<512x32xf32, #tpu.memory_space<vmem>> -> memref<128x32xf32, #tpu.memory_space<vmem>>
      %dma_start3A_549 = arith.constant 0 : i32
      %dma_start3A_550 = tpu.memref_slice %arg8[%dma_start3A_545, %dma_start3A_549] : memref<4x128xi32, #tpu.memory_space<vmem>> -> memref<1x128xi32, #tpu.memory_space<vmem>>
      %dma_start3A_551 = tpu.memref_squeeze %dma_start3A_550 : memref<1x128xi32, #tpu.memory_space<vmem>> -> memref<128xi32, #tpu.memory_space<vmem>>
      %dma_start3A_552 = arith.constant 0 : i32
      %dma_start3A_553 = arith.constant 0 : i32
      %dma_start3A_554 = tpu.memref_slice %arg3[%dma_start3A_552, %dma_start3A_553] : memref<1000001x32xf32, #tpu.memory_space<hbm>> -> memref<1000001x32xf32, #tpu.memory_space<hbm>>
      tpu.enqueue_indirect_dma source(%dma_start3A_554 : memref<1000001x32xf32, #tpu.memory_space<hbm>>) target(%dma_start3A_548 : memref<128x32xf32, #tpu.memory_space<vmem>>) offsets(%dma_start3A_551 : memref<128xi32, #tpu.memory_space<vmem>>) semaphore(%arg18 : memref<!tpu.dma_semaphore, #tpu.memory_space<semaphore_mem>>)
      %dma_start3A_555 = arith.constant 2 : i32
      %dma_start3A_556 = arith.constant 256 : i32
      %dma_start3A_557 = arith.constant 0 : i32
      %dma_start3A_558 = tpu.memref_slice %arg13[%dma_start3A_556, %dma_start3A_557] : memref<512x32xf32, #tpu.memory_space<vmem>> -> memref<128x32xf32, #tpu.memory_space<vmem>>
      %dma_start3A_559 = arith.constant 0 : i32
      %dma_start3A_560 = tpu.memref_slice %arg8[%dma_start3A_555, %dma_start3A_559] : memref<4x128xi32, #tpu.memory_space<vmem>> -> memref<1x128xi32, #tpu.memory_space<vmem>>
      %dma_start3A_561 = tpu.memref_squeeze %dma_start3A_560 : memref<1x128xi32, #tpu.memory_space<vmem>> -> memref<128xi32, #tpu.memory_space<vmem>>
      %dma_start3A_562 = arith.constant 0 : i32
      %dma_start3A_563 = arith.constant 0 : i32
      %dma_start3A_564 = tpu.memref_slice %arg3[%dma_start3A_562, %dma_start3A_563] : memref<1000001x32xf32, #tpu.memory_space<hbm>> -> memref<1000001x32xf32, #tpu.memory_space<hbm>>
      tpu.enqueue_indirect_dma source(%dma_start3A_564 : memref<1000001x32xf32, #tpu.memory_space<hbm>>) target(%dma_start3A_558 : memref<128x32xf32, #tpu.memory_space<vmem>>) offsets(%dma_start3A_561 : memref<128xi32, #tpu.memory_space<vmem>>) semaphore(%arg18 : memref<!tpu.dma_semaphore, #tpu.memory_space<semaphore_mem>>)
      %dma_start3A_565 = arith.constant 3 : i32
      %dma_start3A_566 = arith.constant 384 : i32
      %dma_start3A_567 = arith.constant 0 : i32
      %dma_start3A_568 = tpu.memref_slice %arg13[%dma_start3A_566, %dma_start3A_567] : memref<512x32xf32, #tpu.memory_space<vmem>> -> memref<128x32xf32, #tpu.memory_space<vmem>>
      %dma_start3A_569 = arith.constant 0 : i32
      %dma_start3A_570 = tpu.memref_slice %arg8[%dma_start3A_565, %dma_start3A_569] : memref<4x128xi32, #tpu.memory_space<vmem>> -> memref<1x128xi32, #tpu.memory_space<vmem>>
      %dma_start3A_571 = tpu.memref_squeeze %dma_start3A_570 : memref<1x128xi32, #tpu.memory_space<vmem>> -> memref<128xi32, #tpu.memory_space<vmem>>
      %dma_start3A_572 = arith.constant 0 : i32
      %dma_start3A_573 = arith.constant 0 : i32
      %dma_start3A_574 = tpu.memref_slice %arg3[%dma_start3A_572, %dma_start3A_573] : memref<1000001x32xf32, #tpu.memory_space<hbm>> -> memref<1000001x32xf32, #tpu.memory_space<hbm>>
      tpu.enqueue_indirect_dma source(%dma_start3A_574 : memref<1000001x32xf32, #tpu.memory_space<hbm>>) target(%dma_start3A_568 : memref<128x32xf32, #tpu.memory_space<vmem>>) offsets(%dma_start3A_571 : memref<128xi32, #tpu.memory_space<vmem>>) semaphore(%arg18 : memref<!tpu.dma_semaphore, #tpu.memory_space<semaphore_mem>>)
      %add3A_575 = arith.constant 4 : i32
      %add3A_576 = arith.addi %mul3A_310, %add3A_575 : i32
      %dma_wait3A_577 = arith.constant 0 : i32
      %dma_wait3A_578 = arith.constant 0 : i32
      %dma_wait3A_579 = tpu.memref_slice %arg4[%dma_wait3A_577, %dma_wait3A_578] : memref<819200x32xf32, #tpu.memory_space<hbm>> -> memref<512x32xf32, #tpu.memory_space<hbm>>
      %dma_wait3A_580 = arith.constant 0 : i32
      %dma_wait3A_581 = arith.constant 0 : i32
      %dma_wait3A_582 = tpu.memref_slice %arg4[%dma_wait3A_580, %dma_wait3A_581] : memref<819200x32xf32, #tpu.memory_space<hbm>> -> memref<512x32xf32, #tpu.memory_space<hbm>>
      tpu.wait_dma2 semaphore(%arg19 : memref<!tpu.dma_semaphore, #tpu.memory_space<semaphore_mem>>) src(%dma_wait3A_582 : memref<512x32xf32, #tpu.memory_space<hbm>>) dst(%arg14 : memref<512x32xf32, #tpu.memory_space<vmem>>)
      %mul3A_583 = arith.constant 512 : i32
      %mul3A_584 = arith.muli %add3A_576, %mul3A_583 : i32
      %add3A_585 = arith.addi %mul3A_4, %mul3A_584 : i32
      %dma_start3A_586 = arith.constant 0 : i32
      %dma_start3A_587 = tpu.memref_slice %arg4[%add3A_585, %dma_start3A_586] : memref<819200x32xf32, #tpu.memory_space<hbm>> -> memref<512x32xf32, #tpu.memory_space<hbm>>
      %dma_start3A_588 = arith.constant 0 : i32
      %dma_start3A_589 = tpu.memref_slice %arg4[%add3A_585, %dma_start3A_588] : memref<819200x32xf32, #tpu.memory_space<hbm>> -> memref<512x32xf32, #tpu.memory_space<hbm>>
      tpu.enqueue_dma source(%arg14 : memref<512x32xf32, #tpu.memory_space<vmem>>) target(%dma_start3A_589 : memref<512x32xf32, #tpu.memory_space<hbm>>) target_semaphore(%arg24 : memref<!tpu.dma_semaphore, #tpu.memory_space<semaphore_mem>>)
      %add3A_590 = arith.constant 5 : i32
      %add3A_591 = arith.addi %add3A_576, %add3A_590 : i32
      %mul3A_592 = arith.constant 4 : i32
      %mul3A_593 = arith.muli %add3A_591, %mul3A_592 : i32
      %add3A_594 = arith.addi %mul3A_2, %mul3A_593 : i32
      "tpu.region"() ({
        %run_scoped3A = tpu.sem_alloc : memref<!tpu.dma_semaphore, #tpu.memory_space<semaphore_mem>>
        %dma_start3A_641 = arith.constant 0 : i32
        %dma_start3A_642 = tpu.memref_slice %arg2[%add3A_594, %dma_start3A_641] : memref<6400x128xi32, #tpu.memory_space<hbm>> -> memref<4x128xi32, #tpu.memory_space<hbm>>
        %dma_start3A_643 = arith.constant 0 : i32
        %dma_start3A_644 = tpu.memref_slice %arg2[%add3A_594, %dma_start3A_643] : memref<6400x128xi32, #tpu.memory_space<hbm>> -> memref<4x128xi32, #tpu.memory_space<hbm>>
        tpu.enqueue_dma source(%dma_start3A_644 : memref<4x128xi32, #tpu.memory_space<hbm>>) target(%arg9 : memref<4x128xi32, #tpu.memory_space<vmem>>) target_semaphore(%run_scoped3A : memref<!tpu.dma_semaphore, #tpu.memory_space<semaphore_mem>>)
        %dma_wait3A_645 = arith.constant 0 : i32
        %dma_wait3A_646 = tpu.memref_slice %arg2[%add3A_594, %dma_wait3A_645] : memref<6400x128xi32, #tpu.memory_space<hbm>> -> memref<4x128xi32, #tpu.memory_space<hbm>>
        %dma_wait3A_647 = arith.constant 0 : i32
        %dma_wait3A_648 = tpu.memref_slice %arg2[%add3A_594, %dma_wait3A_647] : memref<6400x128xi32, #tpu.memory_space<hbm>> -> memref<4x128xi32, #tpu.memory_space<hbm>>
        tpu.wait_dma2 semaphore(%run_scoped3A : memref<!tpu.dma_semaphore, #tpu.memory_space<semaphore_mem>>) src(%dma_wait3A_648 : memref<4x128xi32, #tpu.memory_space<hbm>>) dst(%arg9 : memref<4x128xi32, #tpu.memory_space<vmem>>)
        tpu.yield
      }) : () -> ()
      %dma_wait3A_595 = arith.constant 0 : i32
      %dma_wait3A_596 = arith.constant 0 : i32
      %dma_wait3A_597 = tpu.memref_slice %arg4[%dma_wait3A_595, %dma_wait3A_596] : memref<819200x32xf32, #tpu.memory_space<hbm>> -> memref<512x32xf32, #tpu.memory_space<hbm>>
      %dma_wait3A_598 = arith.constant 0 : i32
      %dma_wait3A_599 = arith.constant 0 : i32
      %dma_wait3A_600 = tpu.memref_slice %arg4[%dma_wait3A_598, %dma_wait3A_599] : memref<819200x32xf32, #tpu.memory_space<hbm>> -> memref<512x32xf32, #tpu.memory_space<hbm>>
      tpu.wait_dma2 semaphore(%arg24 : memref<!tpu.dma_semaphore, #tpu.memory_space<semaphore_mem>>) src(%arg14 : memref<512x32xf32, #tpu.memory_space<vmem>>) dst(%dma_wait3A_600 : memref<512x32xf32, #tpu.memory_space<hbm>>)
      %dma_start3A_601 = arith.constant 0 : i32
      %dma_start3A_602 = arith.constant 0 : i32
      %dma_start3A_603 = arith.constant 0 : i32
      %dma_start3A_604 = tpu.memref_slice %arg14[%dma_start3A_602, %dma_start3A_603] : memref<512x32xf32, #tpu.memory_space<vmem>> -> memref<128x32xf32, #tpu.memory_space<vmem>>
      %dma_start3A_605 = arith.constant 0 : i32
      %dma_start3A_606 = tpu.memref_slice %arg9[%dma_start3A_601, %dma_start3A_605] : memref<4x128xi32, #tpu.memory_space<vmem>> -> memref<1x128xi32, #tpu.memory_space<vmem>>
      %dma_start3A_607 = tpu.memref_squeeze %dma_start3A_606 : memref<1x128xi32, #tpu.memory_space<vmem>> -> memref<128xi32, #tpu.memory_space<vmem>>
      %dma_start3A_608 = arith.constant 0 : i32
      %dma_start3A_609 = arith.constant 0 : i32
      %dma_start3A_610 = tpu.memref_slice %arg3[%dma_start3A_608, %dma_start3A_609] : memref<1000001x32xf32, #tpu.memory_space<hbm>> -> memref<1000001x32xf32, #tpu.memory_space<hbm>>
      tpu.enqueue_indirect_dma source(%dma_start3A_610 : memref<1000001x32xf32, #tpu.memory_space<hbm>>) target(%dma_start3A_604 : memref<128x32xf32, #tpu.memory_space<vmem>>) offsets(%dma_start3A_607 : memref<128xi32, #tpu.memory_space<vmem>>) semaphore(%arg19 : memref<!tpu.dma_semaphore, #tpu.memory_space<semaphore_mem>>)
      %dma_start3A_611 = arith.constant 1 : i32
      %dma_start3A_612 = arith.constant 128 : i32
      %dma_start3A_613 = arith.constant 0 : i32
      %dma_start3A_614 = tpu.memref_slice %arg14[%dma_start3A_612, %dma_start3A_613] : memref<512x32xf32, #tpu.memory_space<vmem>> -> memref<128x32xf32, #tpu.memory_space<vmem>>
      %dma_start3A_615 = arith.constant 0 : i32
      %dma_start3A_616 = tpu.memref_slice %arg9[%dma_start3A_611, %dma_start3A_615] : memref<4x128xi32, #tpu.memory_space<vmem>> -> memref<1x128xi32, #tpu.memory_space<vmem>>
      %dma_start3A_617 = tpu.memref_squeeze %dma_start3A_616 : memref<1x128xi32, #tpu.memory_space<vmem>> -> memref<128xi32, #tpu.memory_space<vmem>>
      %dma_start3A_618 = arith.constant 0 : i32
      %dma_start3A_619 = arith.constant 0 : i32
      %dma_start3A_620 = tpu.memref_slice %arg3[%dma_start3A_618, %dma_start3A_619] : memref<1000001x32xf32, #tpu.memory_space<hbm>> -> memref<1000001x32xf32, #tpu.memory_space<hbm>>
      tpu.enqueue_indirect_dma source(%dma_start3A_620 : memref<1000001x32xf32, #tpu.memory_space<hbm>>) target(%dma_start3A_614 : memref<128x32xf32, #tpu.memory_space<vmem>>) offsets(%dma_start3A_617 : memref<128xi32, #tpu.memory_space<vmem>>) semaphore(%arg19 : memref<!tpu.dma_semaphore, #tpu.memory_space<semaphore_mem>>)
      %dma_start3A_621 = arith.constant 2 : i32
      %dma_start3A_622 = arith.constant 256 : i32
      %dma_start3A_623 = arith.constant 0 : i32
      %dma_start3A_624 = tpu.memref_slice %arg14[%dma_start3A_622, %dma_start3A_623] : memref<512x32xf32, #tpu.memory_space<vmem>> -> memref<128x32xf32, #tpu.memory_space<vmem>>
      %dma_start3A_625 = arith.constant 0 : i32
      %dma_start3A_626 = tpu.memref_slice %arg9[%dma_start3A_621, %dma_start3A_625] : memref<4x128xi32, #tpu.memory_space<vmem>> -> memref<1x128xi32, #tpu.memory_space<vmem>>
      %dma_start3A_627 = tpu.memref_squeeze %dma_start3A_626 : memref<1x128xi32, #tpu.memory_space<vmem>> -> memref<128xi32, #tpu.memory_space<vmem>>
      %dma_start3A_628 = arith.constant 0 : i32
      %dma_start3A_629 = arith.constant 0 : i32
      %dma_start3A_630 = tpu.memref_slice %arg3[%dma_start3A_628, %dma_start3A_629] : memref<1000001x32xf32, #tpu.memory_space<hbm>> -> memref<1000001x32xf32, #tpu.memory_space<hbm>>
      tpu.enqueue_indirect_dma source(%dma_start3A_630 : memref<1000001x32xf32, #tpu.memory_space<hbm>>) target(%dma_start3A_624 : memref<128x32xf32, #tpu.memory_space<vmem>>) offsets(%dma_start3A_627 : memref<128xi32, #tpu.memory_space<vmem>>) semaphore(%arg19 : memref<!tpu.dma_semaphore, #tpu.memory_space<semaphore_mem>>)
      %dma_start3A_631 = arith.constant 3 : i32
      %dma_start3A_632 = arith.constant 384 : i32
      %dma_start3A_633 = arith.constant 0 : i32
      %dma_start3A_634 = tpu.memref_slice %arg14[%dma_start3A_632, %dma_start3A_633] : memref<512x32xf32, #tpu.memory_space<vmem>> -> memref<128x32xf32, #tpu.memory_space<vmem>>
      %dma_start3A_635 = arith.constant 0 : i32
      %dma_start3A_636 = tpu.memref_slice %arg9[%dma_start3A_631, %dma_start3A_635] : memref<4x128xi32, #tpu.memory_space<vmem>> -> memref<1x128xi32, #tpu.memory_space<vmem>>
      %dma_start3A_637 = tpu.memref_squeeze %dma_start3A_636 : memref<1x128xi32, #tpu.memory_space<vmem>> -> memref<128xi32, #tpu.memory_space<vmem>>
      %dma_start3A_638 = arith.constant 0 : i32
      %dma_start3A_639 = arith.constant 0 : i32
      %dma_start3A_640 = tpu.memref_slice %arg3[%dma_start3A_638, %dma_start3A_639] : memref<1000001x32xf32, #tpu.memory_space<hbm>> -> memref<1000001x32xf32, #tpu.memory_space<hbm>>
      tpu.enqueue_indirect_dma source(%dma_start3A_640 : memref<1000001x32xf32, #tpu.memory_space<hbm>>) target(%dma_start3A_634 : memref<128x32xf32, #tpu.memory_space<vmem>>) offsets(%dma_start3A_637 : memref<128xi32, #tpu.memory_space<vmem>>) semaphore(%arg19 : memref<!tpu.dma_semaphore, #tpu.memory_space<semaphore_mem>>)
    }
    %scan3A_218 = arith.constant 9 : i32
    %dma_wait3A = arith.constant 0 : i32
    %dma_wait3A_219 = arith.constant 0 : i32
    %dma_wait3A_220 = tpu.memref_slice %arg4[%dma_wait3A, %dma_wait3A_219] : memref<819200x32xf32, #tpu.memory_space<hbm>> -> memref<512x32xf32, #tpu.memory_space<hbm>>
    %dma_wait3A_221 = arith.constant 0 : i32
    %dma_wait3A_222 = arith.constant 0 : i32
    %dma_wait3A_223 = tpu.memref_slice %arg4[%dma_wait3A_221, %dma_wait3A_222] : memref<819200x32xf32, #tpu.memory_space<hbm>> -> memref<512x32xf32, #tpu.memory_space<hbm>>
    tpu.wait_dma2 semaphore(%arg15 : memref<!tpu.dma_semaphore, #tpu.memory_space<semaphore_mem>>) src(%dma_wait3A_223 : memref<512x32xf32, #tpu.memory_space<hbm>>) dst(%arg10 : memref<512x32xf32, #tpu.memory_space<vmem>>)
    %add3A_224 = arith.constant 23040 : i32
    %add3A_225 = arith.addi %mul3A_4, %add3A_224 : i32
    %dma_start3A_226 = arith.constant 0 : i32
    %dma_start3A_227 = tpu.memref_slice %arg4[%add3A_225, %dma_start3A_226] : memref<819200x32xf32, #tpu.memory_space<hbm>> -> memref<512x32xf32, #tpu.memory_space<hbm>>
    %dma_start3A_228 = arith.constant 0 : i32
    %dma_start3A_229 = tpu.memref_slice %arg4[%add3A_225, %dma_start3A_228] : memref<819200x32xf32, #tpu.memory_space<hbm>> -> memref<512x32xf32, #tpu.memory_space<hbm>>
    tpu.enqueue_dma source(%arg10 : memref<512x32xf32, #tpu.memory_space<vmem>>) target(%dma_start3A_229 : memref<512x32xf32, #tpu.memory_space<hbm>>) target_semaphore(%arg20 : memref<!tpu.dma_semaphore, #tpu.memory_space<semaphore_mem>>)
    %dma_wait3A_230 = arith.constant 0 : i32
    %dma_wait3A_231 = arith.constant 0 : i32
    %dma_wait3A_232 = tpu.memref_slice %arg4[%dma_wait3A_230, %dma_wait3A_231] : memref<819200x32xf32, #tpu.memory_space<hbm>> -> memref<512x32xf32, #tpu.memory_space<hbm>>
    %dma_wait3A_233 = arith.constant 0 : i32
    %dma_wait3A_234 = arith.constant 0 : i32
    %dma_wait3A_235 = tpu.memref_slice %arg4[%dma_wait3A_233, %dma_wait3A_234] : memref<819200x32xf32, #tpu.memory_space<hbm>> -> memref<512x32xf32, #tpu.memory_space<hbm>>
    tpu.wait_dma2 semaphore(%arg16 : memref<!tpu.dma_semaphore, #tpu.memory_space<semaphore_mem>>) src(%dma_wait3A_235 : memref<512x32xf32, #tpu.memory_space<hbm>>) dst(%arg11 : memref<512x32xf32, #tpu.memory_space<vmem>>)
    %add3A_236 = arith.constant 23552 : i32
    %add3A_237 = arith.addi %mul3A_4, %add3A_236 : i32
    %dma_start3A_238 = arith.constant 0 : i32
    %dma_start3A_239 = tpu.memref_slice %arg4[%add3A_237, %dma_start3A_238] : memref<819200x32xf32, #tpu.memory_space<hbm>> -> memref<512x32xf32, #tpu.memory_space<hbm>>
    %dma_start3A_240 = arith.constant 0 : i32
    %dma_start3A_241 = tpu.memref_slice %arg4[%add3A_237, %dma_start3A_240] : memref<819200x32xf32, #tpu.memory_space<hbm>> -> memref<512x32xf32, #tpu.memory_space<hbm>>
    tpu.enqueue_dma source(%arg11 : memref<512x32xf32, #tpu.memory_space<vmem>>) target(%dma_start3A_241 : memref<512x32xf32, #tpu.memory_space<hbm>>) target_semaphore(%arg21 : memref<!tpu.dma_semaphore, #tpu.memory_space<semaphore_mem>>)
    %dma_wait3A_242 = arith.constant 0 : i32
    %dma_wait3A_243 = arith.constant 0 : i32
    %dma_wait3A_244 = tpu.memref_slice %arg4[%dma_wait3A_242, %dma_wait3A_243] : memref<819200x32xf32, #tpu.memory_space<hbm>> -> memref<512x32xf32, #tpu.memory_space<hbm>>
    %dma_wait3A_245 = arith.constant 0 : i32
    %dma_wait3A_246 = arith.constant 0 : i32
    %dma_wait3A_247 = tpu.memref_slice %arg4[%dma_wait3A_245, %dma_wait3A_246] : memref<819200x32xf32, #tpu.memory_space<hbm>> -> memref<512x32xf32, #tpu.memory_space<hbm>>
    tpu.wait_dma2 semaphore(%arg17 : memref<!tpu.dma_semaphore, #tpu.memory_space<semaphore_mem>>) src(%dma_wait3A_247 : memref<512x32xf32, #tpu.memory_space<hbm>>) dst(%arg12 : memref<512x32xf32, #tpu.memory_space<vmem>>)
    %add3A_248 = arith.constant 24064 : i32
    %add3A_249 = arith.addi %mul3A_4, %add3A_248 : i32
    %dma_start3A_250 = arith.constant 0 : i32
    %dma_start3A_251 = tpu.memref_slice %arg4[%add3A_249, %dma_start3A_250] : memref<819200x32xf32, #tpu.memory_space<hbm>> -> memref<512x32xf32, #tpu.memory_space<hbm>>
    %dma_start3A_252 = arith.constant 0 : i32
    %dma_start3A_253 = tpu.memref_slice %arg4[%add3A_249, %dma_start3A_252] : memref<819200x32xf32, #tpu.memory_space<hbm>> -> memref<512x32xf32, #tpu.memory_space<hbm>>
    tpu.enqueue_dma source(%arg12 : memref<512x32xf32, #tpu.memory_space<vmem>>) target(%dma_start3A_253 : memref<512x32xf32, #tpu.memory_space<hbm>>) target_semaphore(%arg22 : memref<!tpu.dma_semaphore, #tpu.memory_space<semaphore_mem>>)
    %dma_wait3A_254 = arith.constant 0 : i32
    %dma_wait3A_255 = arith.constant 0 : i32
    %dma_wait3A_256 = tpu.memref_slice %arg4[%dma_wait3A_254, %dma_wait3A_255] : memref<819200x32xf32, #tpu.memory_space<hbm>> -> memref<512x32xf32, #tpu.memory_space<hbm>>
    %dma_wait3A_257 = arith.constant 0 : i32
    %dma_wait3A_258 = arith.constant 0 : i32
    %dma_wait3A_259 = tpu.memref_slice %arg4[%dma_wait3A_257, %dma_wait3A_258] : memref<819200x32xf32, #tpu.memory_space<hbm>> -> memref<512x32xf32, #tpu.memory_space<hbm>>
    tpu.wait_dma2 semaphore(%arg18 : memref<!tpu.dma_semaphore, #tpu.memory_space<semaphore_mem>>) src(%dma_wait3A_259 : memref<512x32xf32, #tpu.memory_space<hbm>>) dst(%arg13 : memref<512x32xf32, #tpu.memory_space<vmem>>)
    %add3A_260 = arith.constant 24576 : i32
    %add3A_261 = arith.addi %mul3A_4, %add3A_260 : i32
    %dma_start3A_262 = arith.constant 0 : i32
    %dma_start3A_263 = tpu.memref_slice %arg4[%add3A_261, %dma_start3A_262] : memref<819200x32xf32, #tpu.memory_space<hbm>> -> memref<512x32xf32, #tpu.memory_space<hbm>>
    %dma_start3A_264 = arith.constant 0 : i32
    %dma_start3A_265 = tpu.memref_slice %arg4[%add3A_261, %dma_start3A_264] : memref<819200x32xf32, #tpu.memory_space<hbm>> -> memref<512x32xf32, #tpu.memory_space<hbm>>
    tpu.enqueue_dma source(%arg13 : memref<512x32xf32, #tpu.memory_space<vmem>>) target(%dma_start3A_265 : memref<512x32xf32, #tpu.memory_space<hbm>>) target_semaphore(%arg23 : memref<!tpu.dma_semaphore, #tpu.memory_space<semaphore_mem>>)
    %dma_wait3A_266 = arith.constant 0 : i32
    %dma_wait3A_267 = arith.constant 0 : i32
    %dma_wait3A_268 = tpu.memref_slice %arg4[%dma_wait3A_266, %dma_wait3A_267] : memref<819200x32xf32, #tpu.memory_space<hbm>> -> memref<512x32xf32, #tpu.memory_space<hbm>>
    %dma_wait3A_269 = arith.constant 0 : i32
    %dma_wait3A_270 = arith.constant 0 : i32
    %dma_wait3A_271 = tpu.memref_slice %arg4[%dma_wait3A_269, %dma_wait3A_270] : memref<819200x32xf32, #tpu.memory_space<hbm>> -> memref<512x32xf32, #tpu.memory_space<hbm>>
    tpu.wait_dma2 semaphore(%arg19 : memref<!tpu.dma_semaphore, #tpu.memory_space<semaphore_mem>>) src(%dma_wait3A_271 : memref<512x32xf32, #tpu.memory_space<hbm>>) dst(%arg14 : memref<512x32xf32, #tpu.memory_space<vmem>>)
    %add3A_272 = arith.constant 25088 : i32
    %add3A_273 = arith.addi %mul3A_4, %add3A_272 : i32
    %dma_start3A_274 = arith.constant 0 : i32
    %dma_start3A_275 = tpu.memref_slice %arg4[%add3A_273, %dma_start3A_274] : memref<819200x32xf32, #tpu.memory_space<hbm>> -> memref<512x32xf32, #tpu.memory_space<hbm>>
    %dma_start3A_276 = arith.constant 0 : i32
    %dma_start3A_277 = tpu.memref_slice %arg4[%add3A_273, %dma_start3A_276] : memref<819200x32xf32, #tpu.memory_space<hbm>> -> memref<512x32xf32, #tpu.memory_space<hbm>>
    tpu.enqueue_dma source(%arg14 : memref<512x32xf32, #tpu.memory_space<vmem>>) target(%dma_start3A_277 : memref<512x32xf32, #tpu.memory_space<hbm>>) target_semaphore(%arg24 : memref<!tpu.dma_semaphore, #tpu.memory_space<semaphore_mem>>)
    %dma_wait3A_278 = arith.constant 0 : i32
    %dma_wait3A_279 = arith.constant 0 : i32
    %dma_wait3A_280 = tpu.memref_slice %arg4[%dma_wait3A_278, %dma_wait3A_279] : memref<819200x32xf32, #tpu.memory_space<hbm>> -> memref<512x32xf32, #tpu.memory_space<hbm>>
    %dma_wait3A_281 = arith.constant 0 : i32
    %dma_wait3A_282 = arith.constant 0 : i32
    %dma_wait3A_283 = tpu.memref_slice %arg4[%dma_wait3A_281, %dma_wait3A_282] : memref<819200x32xf32, #tpu.memory_space<hbm>> -> memref<512x32xf32, #tpu.memory_space<hbm>>
    tpu.wait_dma2 semaphore(%arg20 : memref<!tpu.dma_semaphore, #tpu.memory_space<semaphore_mem>>) src(%arg10 : memref<512x32xf32, #tpu.memory_space<vmem>>) dst(%dma_wait3A_283 : memref<512x32xf32, #tpu.memory_space<hbm>>)
    %dma_wait3A_284 = arith.constant 0 : i32
    %dma_wait3A_285 = arith.constant 0 : i32
    %dma_wait3A_286 = tpu.memref_slice %arg4[%dma_wait3A_284, %dma_wait3A_285] : memref<819200x32xf32, #tpu.memory_space<hbm>> -> memref<512x32xf32, #tpu.memory_space<hbm>>
    %dma_wait3A_287 = arith.constant 0 : i32
    %dma_wait3A_288 = arith.constant 0 : i32
    %dma_wait3A_289 = tpu.memref_slice %arg4[%dma_wait3A_287, %dma_wait3A_288] : memref<819200x32xf32, #tpu.memory_space<hbm>> -> memref<512x32xf32, #tpu.memory_space<hbm>>
    tpu.wait_dma2 semaphore(%arg21 : memref<!tpu.dma_semaphore, #tpu.memory_space<semaphore_mem>>) src(%arg11 : memref<512x32xf32, #tpu.memory_space<vmem>>) dst(%dma_wait3A_289 : memref<512x32xf32, #tpu.memory_space<hbm>>)
    %dma_wait3A_290 = arith.constant 0 : i32
    %dma_wait3A_291 = arith.constant 0 : i32
    %dma_wait3A_292 = tpu.memref_slice %arg4[%dma_wait3A_290, %dma_wait3A_291] : memref<819200x32xf32, #tpu.memory_space<hbm>> -> memref<512x32xf32, #tpu.memory_space<hbm>>
    %dma_wait3A_293 = arith.constant 0 : i32
    %dma_wait3A_294 = arith.constant 0 : i32
    %dma_wait3A_295 = tpu.memref_slice %arg4[%dma_wait3A_293, %dma_wait3A_294] : memref<819200x32xf32, #tpu.memory_space<hbm>> -> memref<512x32xf32, #tpu.memory_space<hbm>>
    tpu.wait_dma2 semaphore(%arg22 : memref<!tpu.dma_semaphore, #tpu.memory_space<semaphore_mem>>) src(%arg12 : memref<512x32xf32, #tpu.memory_space<vmem>>) dst(%dma_wait3A_295 : memref<512x32xf32, #tpu.memory_space<hbm>>)
    %dma_wait3A_296 = arith.constant 0 : i32
    %dma_wait3A_297 = arith.constant 0 : i32
    %dma_wait3A_298 = tpu.memref_slice %arg4[%dma_wait3A_296, %dma_wait3A_297] : memref<819200x32xf32, #tpu.memory_space<hbm>> -> memref<512x32xf32, #tpu.memory_space<hbm>>
    %dma_wait3A_299 = arith.constant 0 : i32
    %dma_wait3A_300 = arith.constant 0 : i32
    %dma_wait3A_301 = tpu.memref_slice %arg4[%dma_wait3A_299, %dma_wait3A_300] : memref<819200x32xf32, #tpu.memory_space<hbm>> -> memref<512x32xf32, #tpu.memory_space<hbm>>
    tpu.wait_dma2 semaphore(%arg23 : memref<!tpu.dma_semaphore, #tpu.memory_space<semaphore_mem>>) src(%arg13 : memref<512x32xf32, #tpu.memory_space<vmem>>) dst(%dma_wait3A_301 : memref<512x32xf32, #tpu.memory_space<hbm>>)
    %dma_wait3A_302 = arith.constant 0 : i32
    %dma_wait3A_303 = arith.constant 0 : i32
    %dma_wait3A_304 = tpu.memref_slice %arg4[%dma_wait3A_302, %dma_wait3A_303] : memref<819200x32xf32, #tpu.memory_space<hbm>> -> memref<512x32xf32, #tpu.memory_space<hbm>>
    %dma_wait3A_305 = arith.constant 0 : i32
    %dma_wait3A_306 = arith.constant 0 : i32
    %dma_wait3A_307 = tpu.memref_slice %arg4[%dma_wait3A_305, %dma_wait3A_306] : memref<819200x32xf32, #tpu.memory_space<hbm>> -> memref<512x32xf32, #tpu.memory_space<hbm>>
    tpu.wait_dma2 semaphore(%arg24 : memref<!tpu.dma_semaphore, #tpu.memory_space<semaphore_mem>>) src(%arg14 : memref<512x32xf32, #tpu.memory_space<vmem>>) dst(%dma_wait3A_307 : memref<512x32xf32, #tpu.memory_space<hbm>>)
    return
  }
}

</mosaic_0001>

<sc_bundles>
// kernel: kernel.3.cloned.1.call-start
scs
__scs_entry_jumppad:
0x0: {  	(pc) =	sbr.rel $0x88, $3  }
0x1: {  	(tag) =	ssettag $0x0;
	lr =	simm.s32 $0x1  }
0x2: {  	[smem:$0x3F9F] =	sst lr;
	_ =	strace $0xD0000000  }
0x3: {  	_ = 	snop  }
0x4: {  	_ = 	snop  }
0x5: {  	_ = 	snop  }
0x6: {  	_ = 	snop  }
0x7: {  	_ = 	snop  }
__scs_overlays_trampoline_lowered:
0x8: {  	[smem:$0x3FAE] =	sst s0  }
0x9: {  	[smem:$0x3FAF] =	sst s1  }
0xa: {  	[smem:$0x3FB0] =	sst s2  }
0xb: {  	[smem:$0x3FB1] =	sst s3  }
0xc: {  	[smem:$0x3FB2] =	sst s4  }
0xd: {  	[smem:$0x3FB3] =	sst s5  }
0xe: {  	[smem:$0x3FB4] =	sst s6  }
0xf: {  	[smem:$0x3FB5] =	sst s7  }
0x10: {  	[smem:$0x3FB6] =	sst s8  }
0x11: {  	[smem:$0x3FB7] =	sst s9;
	s0 =	simm.s32 @!p0 $0x0  }
0x12: {  	s1 =	sld [smem:$0x3F9D];
	s0 =	simm.s32 @p0 $0x1  }
0x13: {  	[smem:$0x3FB8] =	sst s0;
	s0 =	simm.s32 @!p1 $0x0  }
0x14: {  	s2 =	sld [smem:$0x3F9C];
	s0 =	simm.s32 @p1 $0x1  }
0x15: {  	[smem:$0x3FB9] =	sst s0;
	s0 =	simm.s32 @!p2 $0x0  }
0x16: {  	s3 =	sld [smem:$0x3FDB];
	s0 =	simm.s32 @p2 $0x1  }
0x17: {  	s4 =	simm.s32 $0x1BF5;
	[smem:$0x3FBB] =	sst s0  }
0x18: {  	s0 =	sld [smem:$0x3F9E];
	_ =	swait.ge [sflag:s4], $0x0  }
0x19: {  	s7 =	sld [smem:$0x3F9F]  }
0x1a: {  	s8 =	sadd.s32 $0xFFFFE003, lr  }
0x1b: {  	s9 =	sadd.s32 $0xFFFFFEF7, lr;
	s5 =	simm.s32 $0xFFFFFFFF;
	p2 =	slt.u32 s8, $0xFFFFF086  }
0x1c: {  	p1 =	slt.u32 s9, $0xF7A;
	s5 =	simm.s32 @!p2 $0x0  }
0x1d: {  	s5 =	simm.s32 @p1 $0x1;
	p0 =	seq.s32 s7, s2  }
0x1e: {  	s7 =	smul.u32 @!p0 $0xF7A, s2;
	p2 =	seq.s32 @!p0 s5, $0x0  }
0x1f: {  	s9 =	smul.u32 $0xF7A, s1;
	s8 =	simm.s32 @!p0 $0x1BF5;
	p2 =	por !p2, p0  }
0x20: {  	[sflag:s8] =	ssyncset.s32 @!p0 $0xFFFFF086;
	s6 =	sadd.s32 @!p0 s3, s7;
	s7 =	simm.s32 @!p0 $0x108  }
0x21: {  	s3 =	sadd.s32 s3, s9;
	s6 =	sadd.s32 @!p0 $0x88, s6;
	s7 =	simm.s32 @p2 $0x1082  }
0x22: {  	[simem:s7], [sflag:s8] =	dma.local @!p0 [hbm:s6], $0xF7A  }
0x23: {  	s9 =	sor.u32 $0xD0000000, s2;
	s6 =	simm.s32 $0x108;
	_ =	swait.ge @!p0 [sflag:s8], $0x0  }
0x24: {  	s3 =	sadd.s32 $0x88, s3;
	s6 =	simm.s32 @!p1 $0x1082;
	[sflag:s4] =	ssyncset.s32 $0xFFFFF086  }
0x25: {  	[simem:s6], [sflag:s4] =	dma.local [hbm:s3], $0xF7A  }
0x26: {  	[smem:$0x3F9F] =	sst s1;
	(tag) =	ssettag s2;
	_ =	strace s9  }
0x27: {  	s1 =	sld [smem:$0x3FAF]  }
0x28: {  	s2 =	sld [smem:$0x3FB0]  }
0x29: {  	s4 =	sld [smem:$0x3FB2]  }
0x2a: {  	p0 =	seq.s32 s5, $0x0;
	s5 =	sld [smem:$0x3FB3]  }
0x2b: {  	s6 =	sld [smem:$0x3FB4]  }
0x2c: {  	s7 =	sld [smem:$0x3FB5]  }
0x2d: {  	s3 =	simm.s32 $0x108;
	s8 =	sld [smem:$0x3FB6]  }
0x2e: {  	s3 =	simm.s32 @!p0 $0x1082;
	s9 =	sld [smem:$0x3FB7]  }
0x2f: {  	lr =	sadd.s32 s0, s3;
	s0 =	sld [smem:$0x3FAE]  }
0x30: {  	s3 =	sld [smem:$0x3FB1]  }
0x31: {  	[smem:$0x3FBA] =	sst s10  }
0x32: {  	s10 =	sld [smem:$0x3FB8];
	_ =	sdelay $0x3  }
0x33: {  	p0 =	seq.s32 s10, $0x1;
	s10 =	sld [smem:$0x3FBA];
	_ =	sdelay $0x3  }
0x34: {  	[smem:$0x3FBA] =	sst s10  }
0x35: {  	s10 =	sld [smem:$0x3FB9];
	_ =	sdelay $0x3  }
0x36: {  	p1 =	seq.s32 s10, $0x1;
	s10 =	sld [smem:$0x3FBA];
	_ =	sdelay $0x3  }
0x37: {  	[smem:$0x3FBA] =	sst s10  }
0x38: {  	s10 =	sld [smem:$0x3FBB]  }
0x39: {  	_ = 	snop;
	(pc) =	sbr.ind lr, $3  }
0x3a: {  	_ = 	snop  }
0x3b: {  	_ = 	snop  }
0x3c: {  	p2 =	seq.s32 s10, $0x1;
	s10 =	sld [smem:$0x3FBA]  }
0x3d: {  	_ =	shalt  }
0x3e: {  	_ =	shalt  }
0x3f: {  	_ =	shalt  }
0x40: {  	_ =	shalt  }
0x41: {  	_ =	shalt  }
0x42: {  	_ =	shalt  }
0x43: {  	_ =	shalt  }
0x44: {  	_ =	shalt  }
0x45: {  	_ =	shalt  }
0x46: {  	_ =	shalt  }
0x47: {  	_ =	shalt  }
0x48: {  	_ =	shalt  }
0x49: {  	_ =	shalt  }
0x4a: {  	_ =	shalt  }
0x4b: {  	_ =	shalt  }
0x4c: {  	_ =	shalt  }
0x4d: {  	_ =	shalt  }
0x4e: {  	_ =	shalt  }
0x4f: {  	_ =	shalt  }
0x50: {  	_ =	shalt  }
0x51: {  	_ =	shalt  }
0x52: {  	_ =	shalt  }
0x53: {  	_ =	shalt  }
0x54: {  	_ =	shalt  }
0x55: {  	_ =	shalt  }
0x56: {  	_ =	shalt  }
0x57: {  	_ =	shalt  }
0x58: {  	_ =	shalt  }
0x59: {  	_ =	shalt  }
0x5a: {  	_ =	shalt  }
0x5b: {  	_ =	shalt  }
0x5c: {  	_ =	shalt  }
0x5d: {  	_ =	shalt  }
0x5e: {  	_ =	shalt  }
0x5f: {  	_ =	shalt  }
0x60: {  	_ =	shalt  }
0x61: {  	_ =	shalt  }
0x62: {  	_ =	shalt  }
0x63: {  	_ =	shalt  }
0x64: {  	_ =	shalt  }
0x65: {  	_ =	shalt  }
0x66: {  	_ =	shalt  }
0x67: {  	_ =	shalt  }
0x68: {  	_ =	shalt  }
0x69: {  	_ =	shalt  }
0x6a: {  	_ =	shalt  }
0x6b: {  	_ =	shalt  }
0x6c: {  	_ =	shalt  }
0x6d: {  	_ =	shalt  }
0x6e: {  	_ =	shalt  }
0x6f: {  	_ =	shalt  }
0x70: {  	_ =	shalt  }
0x71: {  	_ =	shalt  }
0x72: {  	_ =	shalt  }
0x73: {  	_ =	shalt  }
0x74: {  	_ =	shalt  }
0x75: {  	_ =	shalt  }
0x76: {  	_ =	shalt  }
0x77: {  	_ =	shalt  }
0x78: {  	_ =	shalt  }
0x79: {  	_ =	shalt  }
0x7a: {  	_ =	shalt  }
0x7b: {  	_ =	shalt  }
0x7c: {  	_ =	shalt  }
0x7d: {  	_ =	shalt  }
0x7e: {  	_ =	shalt  }
0x7f: {  	_ =	shalt  }
0x80: {  	_ =	shalt  }
0x81: {  	_ =	shalt  }
0x82: {  	_ =	shalt  }
0x83: {  	_ =	shalt  }
0x84: {  	_ =	shalt  }
0x85: {  	_ =	shalt  }
0x86: {  	_ =	shalt  }
0x87: {  	_ =	shalt  }
.Lfunc_end0:
.L_simem_size_0:
called_computation.1_lowered:
.L_overlay_start_0:
0x88: {  	s2 =	sld [smem:$0x3FD9]  }
0x89: {  	s3 =	sld [smem:$0x3FFE];
	_ =	sdelay $0x1  }
0x8a: {  	s1 =	srdreg.scid  }
0x8b: {  	s0 =	sand.u32 $0x1, s1  }
0x8c: {  	s17 =	sshll.u32 s0, $0xA;
	s2 =	sadd.s32 s3, s2  }
0x8d: {  	s2 =	sadd.s32 s2, s17  }
0x8e: {  	[smem:$0x3FC6] =	sst s2  }
0x8f: {  	_ = 	snop  }
0x90: {  	s2 =	sld [smem:$0x3FD0];
	(tm) =	ssettm $0x1  }
0x91: {  	s18 =	sld [smem:$0x3FFB];
	_ =	sdelay $0x3  }
0x92: {  	_ =	strace s18  }
0x93: {  	s3 =	sld [smem:$0x3FFC];
	_ =	sdelay $0x3  }
0x94: {  	_ =	strace s3  }
0x95: {  	s3 =	sld [smem:$0x3FFD];
	_ =	sdelay $0x3  }
0x96: {  	_ =	strace s3  }
0x97: {  	_ =	strace $0x8FFFFFFF  }
0x98: {  	s19 =	sld [smem:$0x3FDB];
	_ =	sdelay $0x1  }
0x99: {  	s4 =	simm.s32 $_scs_section_size  }
0x9a: {  	s5 =	simm.s32 $_size__tile_overlayer_lowered;
	s6 =	simm.s32 $_tile_overlayer_lowered  }
0x9b: {  	s22 =	simm.s32 $0x1BFF;
	s21 =	sshll.u32 s6, $0x1;
	s3 =	sadd.s32 s4, s19  }
0x9c: {  	s7 =	simm.s32 $0x0;
	s20 =	sshll.u32 s5, $0x1;
	s5 =	sadd.s32 s21, s3  }
0x9d: {  	[timem:s7], [sflag:s22] =	dma.local [hbm:s5], s20  }
0x9e: {  	_ =	swait.ge [sflag:s22], s20  }
0x9f: {  	s4 =	ssub.s32 $0x0, s20;
	[sflag:s22] =	ssyncset.done $0x0  }
0xa0: {  	[sflag:s22] =	ssyncadd.s32 s4;
	_ =	sdelay $0x1  }
0xa1: {  	s23 =	simm.s32 $0x1B8B  }
0xa2: {  	_ =	swait.ge [sflag:s23], $0x1  }
0xa3: {  	[sflag:s23] =	ssyncset.done $0x0  }
0xa4: {  	s25 =	simm.s32 $0x1B8E;
	s24 =	sld [smem:$0x3FFE];
	[sflag:s23] =	ssyncadd.s32 $0xFFFFFFFF  }
0xa5: {  	s26 =	simm.s32 $execute0_lowered;
	[smem:$0x3FD2] =	sst s25  }
0xa6: {  	s5 =	sshll.u32 s26, $0x1;
	_ =	strace $0x80000046;
	[dreg:$0x1] =	wrdreg $0xFFFFFFFF  }
0xa7: {  	s28 =	simm.s32 $_size_execute0_lowered;
	s3 =	sadd.s32 s3, s5;
	[dreg:$0x0] =	wrdreg $0x0  }
0xa8: {  	s5 =	sshll.u32 s28, $0x1;
	[dreg:$0x2] =	wrdreg s3  }
0xa9: {  	[dreg:$0x3] =	wrdreg s5  }
0xaa: {  	[dreg:$0x4] =	wrdreg $0xC0  }
0xab: {  	_ =	task [dreg:s7], $0x5FFFF  }
0xac: {  	[dreg:$0x1] =	wrdreg $0xFFFFFFFF  }
0xad: {  	[dreg:$0x0] =	wrdreg $0x60  }
0xae: {  	[dreg:$0x2] =	wrdreg s24  }
0xaf: {  	[dreg:$0x3] =	wrdreg s2  }
0xb0: {  	[dreg:$0x4] =	wrdreg $0x9  }
0xb1: {  	_ =	task.clear_ibuf [dreg:s7], $0x5FFFF;
	_ =	strace $0x90000046  }
0xb2: {  	s29 =	simm.s32 $0x9;
	_ =	strace $0x80000048  }
0xb3: {  	_ =	swait.ge [sflag:s29], $0x1  }
0xb4: {  	[sflag:s29] =	ssyncadd.s32 $0xFFFFFFFF  }
0xb5: {  	_ =	strace $0x90000048  }
0xb6: {  	_ =	sfence  }
0xb7: {  	s30 =	sld [smem:$0x0];
	_ =	sdelay $0x2  }
0xb8: {  	s31 =	sshll.u32 s1, $0xD;
	s1 =	sshrl.u32 s1, $0x2  }
0xb9: {  	s3 =	sand.u32 $0x4000, s31;
	s1 =	sadd.s32 s1, s30  }
0xba: {  	s0 =	sor.u32 s3, s0;
	s1 =	sshll.u32 s1, $0x11  }
0xbb: {  	s0 =	sor.u32 s1, s0  }
0xbc: {  	s0 =	sadd.s32 $0x8F2B, s0  }
0xbd: {  	[sflag:s0] =	ssyncadd.remote.s32 $0x1  }
0xbe: {  	_ =	sfence.sel $0xFFFF  }
0xbf: {  	[dreg:$0x0] =	wrdreg $0xFFFFFFFF;
	(pc) =	sbr.abs _section_cstart, $3  }
0xc0: {  	[dreg:$0x1] =	wrdreg $0xFFFFFFFF  }
0xc1: {  	_ =	task.clear_ibuf [dreg:s7], $0x2FFFF;
	_ =	strace $0x9FFFFFFF  }
0xc2: {  	(tm) =	ssettm $0x7FFFFFFF  }
0xc3: {  	_ =	shalt  }
tec
execute0_lowered:
.L_overlay_start_1:
0x0: {  	(tag) =	ssettag $0x1  }
0x1: {  	s0 =	rddreg [dreg:$0x0];
	s11 =	stileid.u32  }
0x2: {  	s1 =	srdreg.scid;
	s10 =	smul.u32 $0x190, s11  }
0x3: {  	s4 =	rddreg [dreg:$0x1];
	s17 =	smul.u32 $0xC800, s11  }
0x4: {  	s2 =	simm.s32 $0x0;
	s1 =	sand.u32 $0x1, s1;
	s23 =	smul.u32 $0x32000, s11  }
0x5: {  	s31 =	simm.s32 $0x5A00;
	s30 =	simm.s32 $0x200;
	s25 =	smul.u32 $0xC8, s1  }
0x6: {  	s3 =	sshll.u32 s11, $0x1;
	[smem:$0x7FF] =	sst s2;
	s19 =	smul.u32 $0x6400, s1  }
0x7: {  	s5 =	sor.u32 s1, s3;
	s24 =	ssub.s32 $0x2, s1;
	s1 =	smul.u32 $0x19000, s1  }
0x8: {  	s7 =	sadd.s32 $0xA00, s0;
	s11 =	simm.s32 $0x2;
	s6 =	smul.u32 $0x6400, s5  }
0x9: {  	_ =	strace $0x80000047;
	s8 =	smul.u32 $0xC80, s5;
	s9 =	sshrl.u32 s24, $0x1  }
0xa: {  	s3 =	sadd.s32 $0xF43000, s0;
	s5 =	smul.u32 $0xC8000, s5;
	s0 =	ssub.s32 s24, s9  }
0xb: {  	s21 =	sadd.s32 s19, s17;
	s17 =	simm.s32 $0x4;
	s19 =	simm.s32 $0x5  }
0xc: {  	s6 =	sshrl.u32 s6, $0x3;
	s12 =	sadd.s32 s7, s8;
	s5 =	sshrl.u32 s5, $0x3  }
0xd: {  	s8 =	sadd.s32 s25, s10;
	s0 =	smax.u32 s0, $0x1;
	[dreg:$0x8] =	wrdreg s12  }
0xe: {  	s6 =	sadd.s32 s7, s6;
	s26 =	sadd.s32 $0x40, s12;
	[dreg:$0x12] =	wrdreg s0  }
0xf: {  	s5 =	sadd.s32 s4, s5;
	[dreg:$0x9] =	wrdreg s26;
	s28 =	sadd.s32 $0x80, s6  }
0x10: {  	s9 =	sshll.u32 s8, $0x4;
	s29 =	sadd.s32 $0xC0, s6;
	[dreg:$0xa] =	wrdreg s28  }
0x11: {  	s0 =	sshll.u32 s21, $0x2;
	s6 =	sadd.s32 $0x100, s6;
	[dreg:$0xb] =	wrdreg s29  }
0x12: {  	s21 =	simm.s32 $0x80;
	s10 =	sadd.s32 $0x16800, s5;
	[dreg:$0xc] =	wrdreg s6  }
0x13: {  	s12 =	sadd.s32 $0x17000, s5;
	s13 =	sadd.s32 $0x17800, s5;
	[dreg:$0xd] =	wrdreg s10  }
0x14: {  	s14 =	sadd.s32 $0x18000, s5;
	s5 =	sadd.s32 $0x18800, s5;
	[dreg:$0xe] =	wrdreg s12  }
0x15: {  	s0 =	sadd.s32 s0, s4;
	s4 =	sadd.s32 s23, s4;
	[dreg:$0xf] =	wrdreg s13  }
0x16: {  	s23 =	simm.s32 $0xA;
	s6 =	sadd.s32 s7, s9;
	[dreg:$0x10] =	wrdreg s14  }
0x17: {  	[dreg:$0x11] =	wrdreg s5;
	s24 =	sadd.s32 $0x2000, s0;
	s25 =	sadd.s32 $0x1800, s0  }
0x18: {  	s26 =	sadd.s32 $0x1000, s0;
	s0 =	sadd.s32 $0x800, s0;
	[dreg:$0x13] =	wrdreg s24  }
0x19: {  	s28 =	sadd.s32 s1, s4;
	s1 =	simm.s32 $0x1A00;
	[dreg:$0x14] =	wrdreg s25  }
0x1a: {  	s5 =	simm.s32 $0x100;
	s7 =	simm.s32 $0x180;
	[dreg:$0x15] =	wrdreg s26  }
0x1b: {  	s10 =	simm.s32 $0x1;
	s4 =	simm.s32 $0x6;
	[dreg:$0x16] =	wrdreg s0  }
0x1c: {  	s12 =	simm.s32 $0x7;
	s29 =	simm.s32 $0x0;
	[dreg:$0x17] =	wrdreg s28  }
0x1d: {  	s13 =	simm.s32 $0x3;
	s15 =	sadd.s32 $0x240, s6;
	[dreg:$0x18] =	wrdreg s29  }
0x1e: {  	s14 =	simm.s32 $0x8;
	s16 =	sadd.s32 $0x200, s6;
	[dreg:$0x3] =	wrdreg s15  }
0x1f: {  	s18 =	sadd.s32 $0x1C0, s6;
	s20 =	sadd.s32 $0x180, s6;
	[dreg:$0x4] =	wrdreg s16  }
0x20: {  	s22 =	sadd.s32 $0x140, s6;
	s6 =	simm.s32 $0x2A00;
	[dreg:$0x5] =	wrdreg s18  }
0x21: {  	s24 =	simm.s32 $0x3A00;
	s25 =	simm.s32 $0x280;
	[dreg:$0x6] =	wrdreg s20  }
0x22: {  	s26 =	simm.s32 $0x800;
	[dreg:$0x7] =	wrdreg s22;
	s20 =	simm.s32 $0xB  }
0x23: {  	s22 =	simm.s32 $0x200;
	s15 =	simm.s32 $0x600;
	s18 =	simm.s32 $0x9  }
.LBB2_1:
0x24: {  	s0 =	rddreg [dreg:$0x8]  }
0x25: {  	[tilespmem:s2], [sflag:$0xB] =	stream.linear.gather [hbm4b:s0+s2], $0x200, $0x38;
	[tilespmem:$0x14A00] =	vst v63  }
0x26: {  	_ =	swait.ge [sflag:s20], $0x200  }
0x27: {  	[sflag:s20] =	ssyncset.done $0x0  }
0x28: {  	s29 =	simm.s32 $0xA00;
	[sflag:s20] =	ssyncadd.s32 $0xFFFFFE00  }
0x29: {  	[tilespmem:s29], [sflag:$0x1] =	stream.indirect.gather [hbm4b:s3+s21], $0x20, s2, s21, $0xb8;
	[tilespmem:$0x14A00] =	vst v63  }
0x2a: {  	_ = 	snop  }
0x2b: {  	[tilespmem:s1], [sflag:$0x1] =	stream.indirect.gather [hbm4b:s3+s21], $0x20, s21, s21, $0xb8;
	[tilespmem:$0x14A00] =	vst v63  }
0x2c: {  	_ = 	snop  }
0x2d: {  	[tilespmem:s6], [sflag:$0x1] =	stream.indirect.gather [hbm4b:s3+s21], $0x20, s5, s21, $0xb8;
	[tilespmem:$0x14A00] =	vst v63  }
0x2e: {  	_ = 	snop  }
0x2f: {  	[tilespmem:s24], [sflag:$0x1] =	stream.indirect.gather [hbm4b:s3+s21], $0x20, s7, s21, $0xb8;
	[tilespmem:$0x14A00] =	vst v63  }
0x30: {  	s16 =	rddreg [dreg:$0x9]  }
0x31: {  	[tilespmem:s22], [sflag:$0xB] =	stream.linear.gather [hbm4b:s16+s2], $0x200, $0x38;
	[tilespmem:$0x14A00] =	vst v63  }
0x32: {  	_ =	swait.ge [sflag:s20], $0x200  }
0x33: {  	[sflag:s20] =	ssyncset.done $0x0  }
0x34: {  	s8 =	simm.s32 $0x4A00;
	[sflag:s20] =	ssyncadd.s32 $0xFFFFFE00  }
0x35: {  	[tilespmem:s8], [sflag:$0x2] =	stream.indirect.gather [hbm4b:s3+s21], $0x20, s22, s21, $0xb8;
	[tilespmem:$0x14A00] =	vst v63  }
0x36: {  	_ = 	snop  }
0x37: {  	[tilespmem:s31], [sflag:$0x2] =	stream.indirect.gather [hbm4b:s3+s21], $0x20, s25, s21, $0xb8;
	[tilespmem:$0x14A00] =	vst v63  }
0x38: {  	s28 =	simm.s32 $0x300;
	s9 =	simm.s32 $0x6A00  }
0x39: {  	[tilespmem:s9], [sflag:$0x2] =	stream.indirect.gather [hbm4b:s3+s21], $0x20, s28, s21, $0xb8;
	[tilespmem:$0x14A00] =	vst v63  }
0x3a: {  	s16 =	simm.s32 $0x7A00;
	s9 =	simm.s32 $0x380  }
0x3b: {  	[tilespmem:s16], [sflag:$0x2] =	stream.indirect.gather [hbm4b:s3+s21], $0x20, s9, s21, $0xb8;
	[tilespmem:$0x14A00] =	vst v63  }
0x3c: {  	s22 =	rddreg [dreg:$0xa];
	s9 =	simm.s32 $0x400  }
0x3d: {  	[tilespmem:s9], [sflag:$0xB] =	stream.linear.gather [hbm4b:s22+s2], $0x200, $0x38;
	[tilespmem:$0x14A00] =	vst v63  }
0x3e: {  	_ =	swait.ge [sflag:s20], $0x200  }
0x3f: {  	[sflag:s20] =	ssyncset.done $0x0  }
0x40: {  	s22 =	simm.s32 $0x8A00;
	[sflag:s20] =	ssyncadd.s32 $0xFFFFFE00  }
0x41: {  	[tilespmem:s22], [sflag:$0x3] =	stream.indirect.gather [hbm4b:s3+s21], $0x20, s9, s21, $0xb8;
	[tilespmem:$0x14A00] =	vst v63  }
0x42: {  	s28 =	simm.s32 $0x480;
	s16 =	simm.s32 $0x9A00  }
0x43: {  	[tilespmem:s16], [sflag:$0x3] =	stream.indirect.gather [hbm4b:s3+s21], $0x20, s28, s21, $0xb8;
	[tilespmem:$0x14A00] =	vst v63  }
0x44: {  	s16 =	simm.s32 $0x500;
	s28 =	simm.s32 $0xAA00  }
0x45: {  	[tilespmem:s28], [sflag:$0x3] =	stream.indirect.gather [hbm4b:s3+s21], $0x20, s16, s21, $0xb8;
	[tilespmem:$0x14A00] =	vst v63  }
0x46: {  	s16 =	simm.s32 $0x580;
	s28 =	simm.s32 $0xBA00  }
0x47: {  	[tilespmem:s28], [sflag:$0x3] =	stream.indirect.gather [hbm4b:s3+s21], $0x20, s16, s21, $0xb8;
	[tilespmem:$0x14A00] =	vst v63  }
0x48: {  	s16 =	rddreg [dreg:$0xb]  }
0x49: {  	[tilespmem:s15], [sflag:$0xB] =	stream.linear.gather [hbm4b:s16+s2], $0x200, $0x38;
	[tilespmem:$0x14A00] =	vst v63  }
0x4a: {  	_ =	swait.ge [sflag:s20], $0x200  }
0x4b: {  	[sflag:s20] =	ssyncset.done $0x0  }
0x4c: {  	s16 =	simm.s32 $0xCA00;
	[sflag:s20] =	ssyncadd.s32 $0xFFFFFE00  }
0x4d: {  	[tilespmem:s16], [sflag:$0x4] =	stream.indirect.gather [hbm4b:s3+s21], $0x20, s15, s21, $0xb8;
	[tilespmem:$0x14A00] =	vst v63  }
0x4e: {  	s0 =	simm.s32 $0x680;
	s28 =	simm.s32 $0xDA00  }
0x4f: {  	[tilespmem:s28], [sflag:$0x4] =	stream.indirect.gather [hbm4b:s3+s21], $0x20, s0, s21, $0xb8;
	[tilespmem:$0x14A00] =	vst v63  }
0x50: {  	s0 =	simm.s32 $0x700;
	s28 =	simm.s32 $0xEA00  }
0x51: {  	[tilespmem:s28], [sflag:$0x4] =	stream.indirect.gather [hbm4b:s3+s21], $0x20, s0, s21, $0xb8;
	[tilespmem:$0x14A00] =	vst v63  }
0x52: {  	s0 =	simm.s32 $0x780;
	s28 =	simm.s32 $0xFA00  }
0x53: {  	[tilespmem:s28], [sflag:$0x4] =	stream.indirect.gather [hbm4b:s3+s21], $0x20, s0, s21, $0xb8;
	[tilespmem:$0x14A00] =	vst v63  }
0x54: {  	s28 =	rddreg [dreg:$0xc]  }
0x55: {  	[tilespmem:s26], [sflag:$0xB] =	stream.linear.gather [hbm4b:s28+s2], $0x200, $0x38;
	[tilespmem:$0x14A00] =	vst v63  }
0x56: {  	_ =	swait.ge [sflag:s20], $0x200  }
0x57: {  	[sflag:s20] =	ssyncset.done $0x0  }
0x58: {  	s28 =	simm.s32 $0x10A00;
	[sflag:s20] =	ssyncadd.s32 $0xFFFFFE00  }
0x59: {  	[tilespmem:s28], [sflag:$0x5] =	stream.indirect.gather [hbm4b:s3+s21], $0x20, s26, s21, $0xb8;
	[tilespmem:$0x14A00] =	vst v63  }
0x5a: {  	s0 =	simm.s32 $0x880;
	s28 =	simm.s32 $0x11A00  }
0x5b: {  	[tilespmem:s28], [sflag:$0x5] =	stream.indirect.gather [hbm4b:s3+s21], $0x20, s0, s21, $0xb8;
	[tilespmem:$0x14A00] =	vst v63  }
0x5c: {  	s0 =	simm.s32 $0x900;
	s28 =	simm.s32 $0x12A00  }
0x5d: {  	[tilespmem:s28], [sflag:$0x5] =	stream.indirect.gather [hbm4b:s3+s21], $0x20, s0, s21, $0xb8;
	[tilespmem:$0x14A00] =	vst v63  }
0x5e: {  	s31 =	simm.s32 $0x13A00;
	s28 =	simm.s32 $0x980  }
0x5f: {  	[tilespmem:s31], [sflag:$0x5] =	stream.indirect.gather [hbm4b:s3+s21], $0x20, s28, s21, $0xb8;
	[tilespmem:$0x14A00] =	vst v63  }
0x60: {  	_ =	swait.ge [sflag:s10], $0x4000  }
0x61: {  	[sflag:s10] =	ssyncset.done $0x0;
	s0 =	rddreg [dreg:$0x7]  }
0x62: {  	s31 =	rddreg [dreg:$0x17];
	[sflag:s10] =	ssyncadd.s32 $0xFFFFC000  }
0x63: {  	[hbm4b:s31+s2] =	stream.linear.scatter [tilespmem:s29], [sflag:$0x6], $0x4000, $0x38;
	[tilespmem:$0x14A00] =	vst v63  }
0x64: {  	s0 =	sadd.s32 $0x0, s0  }
0x65: {  	[tilespmem:s2], [sflag:$0xB] =	stream.linear.gather [hbm4b:s0+s2], $0x200, $0x38;
	[tilespmem:$0x14A00] =	vst v63  }
0x66: {  	_ =	swait.ge [sflag:s20], $0x200  }
0x67: {  	[sflag:s20] =	ssyncset.done $0x0  }
0x68: {  	[sflag:s20] =	ssyncadd.s32 $0xFFFFFE00  }
0x69: {  	_ =	swait.ge [sflag:s4], $0x4000  }
0x6a: {  	[sflag:s4] =	ssyncset.done $0x0  }
0x6b: {  	[sflag:s4] =	ssyncadd.s32 $0xFFFFC000  }
0x6c: {  	[tilespmem:s29], [sflag:$0x1] =	stream.indirect.gather [hbm4b:s3+s21], $0x20, s2, s21, $0xb8;
	[tilespmem:$0x14A00] =	vst v63  }
0x6d: {  	_ = 	snop  }
0x6e: {  	[tilespmem:s1], [sflag:$0x1] =	stream.indirect.gather [hbm4b:s3+s21], $0x20, s21, s21, $0xb8;
	[tilespmem:$0x14A00] =	vst v63  }
0x6f: {  	_ = 	snop  }
0x70: {  	[tilespmem:s6], [sflag:$0x1] =	stream.indirect.gather [hbm4b:s3+s21], $0x20, s5, s21, $0xb8;
	[tilespmem:$0x14A00] =	vst v63  }
0x71: {  	_ = 	snop  }
0x72: {  	[tilespmem:s24], [sflag:$0x1] =	stream.indirect.gather [hbm4b:s3+s21], $0x20, s7, s21, $0xb8;
	[tilespmem:$0x14A00] =	vst v63  }
0x73: {  	_ =	swait.ge [sflag:s11], $0x4000  }
0x74: {  	[sflag:s11] =	ssyncset.done $0x0;
	s24 =	rddreg [dreg:$0x6]  }
0x75: {  	s7 =	rddreg [dreg:$0x16];
	[sflag:s11] =	ssyncadd.s32 $0xFFFFC000  }
0x76: {  	[hbm4b:s7+s2] =	stream.linear.scatter [tilespmem:s8], [sflag:$0x7], $0x4000, $0x38;
	[tilespmem:$0x14A00] =	vst v63  }
0x77: {  	s0 =	sadd.s32 $0x0, s24  }
0x78: {  	[tilespmem:s30], [sflag:$0xB] =	stream.linear.gather [hbm4b:s0+s2], $0x200, $0x38;
	[tilespmem:$0x14A00] =	vst v63  }
0x79: {  	_ =	swait.ge [sflag:s20], $0x200  }
0x7a: {  	[sflag:s20] =	ssyncset.done $0x0  }
0x7b: {  	[sflag:s20] =	ssyncadd.s32 $0xFFFFFE00  }
0x7c: {  	_ =	swait.ge [sflag:s12], $0x4000  }
0x7d: {  	[sflag:s12] =	ssyncset.done $0x0  }
0x7e: {  	[sflag:s12] =	ssyncadd.s32 $0xFFFFC000  }
0x7f: {  	[tilespmem:s8], [sflag:$0x2] =	stream.indirect.gather [hbm4b:s3+s21], $0x20, s30, s21, $0xb8;
	[tilespmem:$0x14A00] =	vst v63  }
0x80: {  	s28 =	simm.s32 $0x5A00  }
0x81: {  	[tilespmem:s28], [sflag:$0x2] =	stream.indirect.gather [hbm4b:s3+s21], $0x20, s25, s21, $0xb8;
	[tilespmem:$0x14A00] =	vst v63  }
0x82: {  	s29 =	simm.s32 $0x6A00;
	s28 =	simm.s32 $0x300  }
0x83: {  	[tilespmem:s29], [sflag:$0x2] =	stream.indirect.gather [hbm4b:s3+s21], $0x20, s28, s21, $0xb8;
	[tilespmem:$0x14A00] =	vst v63  }
0x84: {  	s5 =	simm.s32 $0x380;
	s6 =	simm.s32 $0x7A00  }
0x85: {  	[tilespmem:s6], [sflag:$0x2] =	stream.indirect.gather [hbm4b:s3+s21], $0x20, s5, s21, $0xb8;
	[tilespmem:$0x14A00] =	vst v63  }
0x86: {  	_ =	swait.ge [sflag:s13], $0x4000  }
0x87: {  	[sflag:s13] =	ssyncset.done $0x0;
	s8 =	rddreg [dreg:$0x5]  }
0x88: {  	s6 =	rddreg [dreg:$0x15];
	[sflag:s13] =	ssyncadd.s32 $0xFFFFC000  }
0x89: {  	[hbm4b:s6+s2] =	stream.linear.scatter [tilespmem:s22], [sflag:$0x8], $0x4000, $0x38;
	[tilespmem:$0x14A00] =	vst v63  }
0x8a: {  	s0 =	sadd.s32 $0x0, s8  }
0x8b: {  	[tilespmem:s9], [sflag:$0xB] =	stream.linear.gather [hbm4b:s0+s2], $0x200, $0x38;
	[tilespmem:$0x14A00] =	vst v63  }
0x8c: {  	_ =	swait.ge [sflag:s20], $0x200  }
0x8d: {  	[sflag:s20] =	ssyncset.done $0x0  }
0x8e: {  	[sflag:s20] =	ssyncadd.s32 $0xFFFFFE00  }
0x8f: {  	_ =	swait.ge [sflag:s14], $0x4000  }
0x90: {  	[sflag:s14] =	ssyncset.done $0x0  }
0x91: {  	[sflag:s14] =	ssyncadd.s32 $0xFFFFC000  }
0x92: {  	[tilespmem:s22], [sflag:$0x3] =	stream.indirect.gather [hbm4b:s3+s21], $0x20, s9, s21, $0xb8;
	[tilespmem:$0x14A00] =	vst v63  }
0x93: {  	s24 =	simm.s32 $0x480;
	s25 =	simm.s32 $0x9A00  }
0x94: {  	[tilespmem:s25], [sflag:$0x3] =	stream.indirect.gather [hbm4b:s3+s21], $0x20, s24, s21, $0xb8;
	[tilespmem:$0x14A00] =	vst v63  }
0x95: {  	s28 =	simm.s32 $0x500;
	s29 =	simm.s32 $0xAA00  }
0x96: {  	[tilespmem:s29], [sflag:$0x3] =	stream.indirect.gather [hbm4b:s3+s21], $0x20, s28, s21, $0xb8;
	[tilespmem:$0x14A00] =	vst v63  }
0x97: {  	s5 =	simm.s32 $0x580;
	s8 =	simm.s32 $0xBA00  }
0x98: {  	[tilespmem:s8], [sflag:$0x3] =	stream.indirect.gather [hbm4b:s3+s21], $0x20, s5, s21, $0xb8;
	[tilespmem:$0x14A00] =	vst v63  }
0x99: {  	_ =	swait.ge [sflag:s17], $0x4000  }
0x9a: {  	[sflag:s17] =	ssyncset.done $0x0;
	s22 =	rddreg [dreg:$0x4]  }
0x9b: {  	s5 =	rddreg [dreg:$0x14];
	[sflag:s17] =	ssyncadd.s32 $0xFFFFC000  }
0x9c: {  	[hbm4b:s5+s2] =	stream.linear.scatter [tilespmem:s16], [sflag:$0x9], $0x4000, $0x38;
	[tilespmem:$0x14A00] =	vst v63  }
0x9d: {  	s0 =	sadd.s32 $0x0, s22  }
0x9e: {  	[tilespmem:s15], [sflag:$0xB] =	stream.linear.gather [hbm4b:s0+s2], $0x200, $0x38;
	[tilespmem:$0x14A00] =	vst v63  }
0x9f: {  	_ =	swait.ge [sflag:s20], $0x200  }
0xa0: {  	[sflag:s20] =	ssyncset.done $0x0  }
0xa1: {  	[sflag:s20] =	ssyncadd.s32 $0xFFFFFE00  }
0xa2: {  	_ =	swait.ge [sflag:s18], $0x4000  }
0xa3: {  	[sflag:s18] =	ssyncset.done $0x0  }
0xa4: {  	[sflag:s18] =	ssyncadd.s32 $0xFFFFC000  }
0xa5: {  	[tilespmem:s16], [sflag:$0x4] =	stream.indirect.gather [hbm4b:s3+s21], $0x20, s15, s21, $0xb8;
	[tilespmem:$0x14A00] =	vst v63  }
0xa6: {  	s24 =	simm.s32 $0x680;
	s25 =	simm.s32 $0xDA00  }
0xa7: {  	[tilespmem:s25], [sflag:$0x4] =	stream.indirect.gather [hbm4b:s3+s21], $0x20, s24, s21, $0xb8;
	[tilespmem:$0x14A00] =	vst v63  }
0xa8: {  	s28 =	simm.s32 $0x700;
	s29 =	simm.s32 $0xEA00  }
0xa9: {  	[tilespmem:s29], [sflag:$0x4] =	stream.indirect.gather [hbm4b:s3+s21], $0x20, s28, s21, $0xb8;
	[tilespmem:$0x14A00] =	vst v63  }
0xaa: {  	s8 =	simm.s32 $0x780;
	s15 =	simm.s32 $0xFA00  }
0xab: {  	[tilespmem:s15], [sflag:$0x4] =	stream.indirect.gather [hbm4b:s3+s21], $0x20, s8, s21, $0xb8;
	[tilespmem:$0x14A00] =	vst v63  }
0xac: {  	_ =	swait.ge [sflag:s19], $0x4000  }
0xad: {  	[sflag:s19] =	ssyncset.done $0x0;
	s16 =	rddreg [dreg:$0x3]  }
0xae: {  	s24 =	simm.s32 $0x10A00;
	s22 =	rddreg [dreg:$0x13];
	[sflag:s19] =	ssyncadd.s32 $0xFFFFC000  }
0xaf: {  	[hbm4b:s22+s2] =	stream.linear.scatter [tilespmem:s24], [sflag:$0xA], $0x4000, $0x38;
	[tilespmem:$0x14A00] =	vst v63  }
0xb0: {  	s0 =	sadd.s32 $0x0, s16  }
0xb1: {  	[tilespmem:s26], [sflag:$0xB] =	stream.linear.gather [hbm4b:s0+s2], $0x200, $0x38;
	[tilespmem:$0x14A00] =	vst v63  }
0xb2: {  	_ =	swait.ge [sflag:s20], $0x200  }
0xb3: {  	[sflag:s20] =	ssyncset.done $0x0  }
0xb4: {  	[sflag:s20] =	ssyncadd.s32 $0xFFFFFE00  }
0xb5: {  	_ =	swait.ge [sflag:s23], $0x4000  }
0xb6: {  	s31 =	sadd.s32 $0x2800, s31;
	s25 =	simm.s32 $0x880;
	[sflag:s23] =	ssyncset.done $0x0  }
0xb7: {  	s28 =	simm.s32 $0x900;
	s29 =	simm.s32 $0x12A00;
	[sflag:s23] =	ssyncadd.s32 $0xFFFFC000  }
0xb8: {  	[tilespmem:s24], [sflag:$0x5] =	stream.indirect.gather [hbm4b:s3+s21], $0x20, s26, s21, $0xb8;
	[tilespmem:$0x14A00] =	vst v63  }
0xb9: {  	s1 =	sadd.s32 $0x2800, s22;
	s0 =	sadd.s32 $0x2800, s5;
	s26 =	simm.s32 $0x11A00  }
0xba: {  	[tilespmem:s26], [sflag:$0x5] =	stream.indirect.gather [hbm4b:s3+s21], $0x20, s25, s21, $0xb8;
	[tilespmem:$0x14A00] =	vst v63  }
0xbb: {  	s5 =	sadd.s32 $0x2800, s6;
	s24 =	simm.s32 $0x140;
	s25 =	sadd.s32 $0x2800, s7  }
0xbc: {  	[tilespmem:s29], [sflag:$0x5] =	stream.indirect.gather [hbm4b:s3+s21], $0x20, s28, s21, $0xb8;
	[tilespmem:$0x14A00] =	vst v63  }
.LBB2_2:
0xbd: {  	s6 =	simm.s32 $0x980;
	s7 =	simm.s32 $0x13A00  }
0xbe: {  	[tilespmem:s7], [sflag:$0x5] =	stream.indirect.gather [hbm4b:s3+s21], $0x20, s6, s21, $0xb8;
	[tilespmem:$0x14A00] =	vst v63  }
0xbf: {  	_ =	swait.ge [sflag:s10], $0x4000  }
0xc0: {  	s22 =	simm.s32 $0xA00;
	[sflag:s10] =	ssyncset.done $0x0  }
0xc1: {  	s6 =	smov.u32 s24;
	s15 =	rddreg [dreg:$0x7];
	[sflag:s10] =	ssyncadd.s32 $0xFFFFC000  }
0xc2: {  	[hbm4b:s31+s2] =	stream.linear.scatter [tilespmem:s22], [sflag:$0x6], $0x4000, $0x38;
	[tilespmem:$0x14A00] =	vst v63  }
0xc3: {  	s7 =	sadd.s32 s6, s15  }
0xc4: {  	[tilespmem:s2], [sflag:$0xB] =	stream.linear.gather [hbm4b:s7+s2], $0x200, $0x38;
	[tilespmem:$0x14A00] =	vst v63  }
0xc5: {  	_ =	swait.ge [sflag:s20], $0x200  }
0xc6: {  	[sflag:s20] =	ssyncset.done $0x0  }
0xc7: {  	[sflag:s20] =	ssyncadd.s32 $0xFFFFFE00  }
0xc8: {  	_ =	swait.ge [sflag:s4], $0x4000  }
0xc9: {  	[sflag:s4] =	ssyncset.done $0x0  }
0xca: {  	[sflag:s4] =	ssyncadd.s32 $0xFFFFC000  }
0xcb: {  	[tilespmem:s22], [sflag:$0x1] =	stream.indirect.gather [hbm4b:s3+s21], $0x20, s2, s21, $0xb8;
	[tilespmem:$0x14A00] =	vst v63  }
0xcc: {  	s16 =	simm.s32 $0x1A00  }
0xcd: {  	[tilespmem:s16], [sflag:$0x1] =	stream.indirect.gather [hbm4b:s3+s21], $0x20, s21, s21, $0xb8;
	[tilespmem:$0x14A00] =	vst v63  }
0xce: {  	s8 =	simm.s32 $0x100;
	s22 =	simm.s32 $0x2A00  }
0xcf: {  	[tilespmem:s22], [sflag:$0x1] =	stream.indirect.gather [hbm4b:s3+s21], $0x20, s8, s21, $0xb8;
	[tilespmem:$0x14A00] =	vst v63  }
0xd0: {  	s26 =	simm.s32 $0x180;
	s28 =	simm.s32 $0x3A00  }
0xd1: {  	[tilespmem:s28], [sflag:$0x1] =	stream.indirect.gather [hbm4b:s3+s21], $0x20, s26, s21, $0xb8;
	[tilespmem:$0x14A00] =	vst v63  }
0xd2: {  	_ =	swait.ge [sflag:s11], $0x4000  }
0xd3: {  	[sflag:s11] =	ssyncset.done $0x0  }
0xd4: {  	s16 =	simm.s32 $0x4A00;
	s15 =	rddreg [dreg:$0x6];
	[sflag:s11] =	ssyncadd.s32 $0xFFFFC000  }
0xd5: {  	[hbm4b:s25+s2] =	stream.linear.scatter [tilespmem:s16], [sflag:$0x7], $0x4000, $0x38;
	[tilespmem:$0x14A00] =	vst v63  }
0xd6: {  	s7 =	sadd.s32 s6, s15  }
0xd7: {  	[tilespmem:s30], [sflag:$0xB] =	stream.linear.gather [hbm4b:s7+s2], $0x200, $0x38;
	[tilespmem:$0x14A00] =	vst v63  }
0xd8: {  	_ =	swait.ge [sflag:s20], $0x200  }
0xd9: {  	[sflag:s20] =	ssyncset.done $0x0  }
0xda: {  	[sflag:s20] =	ssyncadd.s32 $0xFFFFFE00  }
0xdb: {  	_ =	swait.ge [sflag:s12], $0x4000  }
0xdc: {  	[sflag:s12] =	ssyncset.done $0x0  }
0xdd: {  	[sflag:s12] =	ssyncadd.s32 $0xFFFFC000  }
0xde: {  	[tilespmem:s16], [sflag:$0x2] =	stream.indirect.gather [hbm4b:s3+s21], $0x20, s30, s21, $0xb8;
	[tilespmem:$0x14A00] =	vst v63  }
0xdf: {  	s22 =	simm.s32 $0x5A00;
	s15 =	simm.s32 $0x280  }
0xe0: {  	[tilespmem:s22], [sflag:$0x2] =	stream.indirect.gather [hbm4b:s3+s21], $0x20, s15, s21, $0xb8;
	[tilespmem:$0x14A00] =	vst v63  }
0xe1: {  	s26 =	simm.s32 $0x300;
	s28 =	simm.s32 $0x6A00  }
0xe2: {  	[tilespmem:s28], [sflag:$0x2] =	stream.indirect.gather [hbm4b:s3+s21], $0x20, s26, s21, $0xb8;
	[tilespmem:$0x14A00] =	vst v63  }
0xe3: {  	s16 =	simm.s32 $0x7A00;
	s15 =	simm.s32 $0x380  }
0xe4: {  	[tilespmem:s16], [sflag:$0x2] =	stream.indirect.gather [hbm4b:s3+s21], $0x20, s15, s21, $0xb8;
	[tilespmem:$0x14A00] =	vst v63  }
0xe5: {  	_ =	swait.ge [sflag:s13], $0x4000  }
0xe6: {  	[sflag:s13] =	ssyncset.done $0x0  }
0xe7: {  	s26 =	simm.s32 $0x8A00;
	s22 =	rddreg [dreg:$0x5];
	[sflag:s13] =	ssyncadd.s32 $0xFFFFC000  }
0xe8: {  	[hbm4b:s5+s2] =	stream.linear.scatter [tilespmem:s26], [sflag:$0x8], $0x4000, $0x38;
	[tilespmem:$0x14A00] =	vst v63  }
0xe9: {  	s7 =	sadd.s32 s6, s22  }
0xea: {  	[tilespmem:s9], [sflag:$0xB] =	stream.linear.gather [hbm4b:s7+s2], $0x200, $0x38;
	[tilespmem:$0x14A00] =	vst v63  }
0xeb: {  	_ =	swait.ge [sflag:s20], $0x200  }
0xec: {  	[sflag:s20] =	ssyncset.done $0x0  }
0xed: {  	[sflag:s20] =	ssyncadd.s32 $0xFFFFFE00  }
0xee: {  	_ =	swait.ge [sflag:s14], $0x4000  }
0xef: {  	[sflag:s14] =	ssyncset.done $0x0  }
0xf0: {  	[sflag:s14] =	ssyncadd.s32 $0xFFFFC000  }
0xf1: {  	[tilespmem:s26], [sflag:$0x3] =	stream.indirect.gather [hbm4b:s3+s21], $0x20, s9, s21, $0xb8;
	[tilespmem:$0x14A00] =	vst v63  }
0xf2: {  	s28 =	simm.s32 $0x480;
	s16 =	simm.s32 $0x9A00  }
0xf3: {  	[tilespmem:s16], [sflag:$0x3] =	stream.indirect.gather [hbm4b:s3+s21], $0x20, s28, s21, $0xb8;
	[tilespmem:$0x14A00] =	vst v63  }
0xf4: {  	s26 =	simm.s32 $0x500;
	s28 =	simm.s32 $0xAA00  }
0xf5: {  	[tilespmem:s28], [sflag:$0x3] =	stream.indirect.gather [hbm4b:s3+s21], $0x20, s26, s21, $0xb8;
	[tilespmem:$0x14A00] =	vst v63  }
0xf6: {  	s16 =	simm.s32 $0x580;
	s26 =	simm.s32 $0xBA00  }
0xf7: {  	[tilespmem:s26], [sflag:$0x3] =	stream.indirect.gather [hbm4b:s3+s21], $0x20, s16, s21, $0xb8;
	[tilespmem:$0x14A00] =	vst v63  }
0xf8: {  	_ =	swait.ge [sflag:s17], $0x4000  }
0xf9: {  	[sflag:s17] =	ssyncset.done $0x0  }
0xfa: {  	s26 =	simm.s32 $0xCA00;
	s28 =	rddreg [dreg:$0x4];
	[sflag:s17] =	ssyncadd.s32 $0xFFFFC000  }
0xfb: {  	[hbm4b:s0+s2] =	stream.linear.scatter [tilespmem:s26], [sflag:$0x9], $0x4000, $0x38;
	[tilespmem:$0x14A00] =	vst v63  }
0xfc: {  	s15 =	simm.s32 $0x600;
	s7 =	sadd.s32 s6, s28  }
0xfd: {  	[tilespmem:s15], [sflag:$0xB] =	stream.linear.gather [hbm4b:s7+s2], $0x200, $0x38;
	[tilespmem:$0x14A00] =	vst v63  }
0xfe: {  	_ =	swait.ge [sflag:s20], $0x200  }
0xff: {  	[sflag:s20] =	ssyncset.done $0x0  }
0x100: {  	[sflag:s20] =	ssyncadd.s32 $0xFFFFFE00  }
0x101: {  	_ =	swait.ge [sflag:s18], $0x4000  }
0x102: {  	[sflag:s18] =	ssyncset.done $0x0  }
0x103: {  	[sflag:s18] =	ssyncadd.s32 $0xFFFFC000  }
0x104: {  	[tilespmem:s26], [sflag:$0x4] =	stream.indirect.gather [hbm4b:s3+s21], $0x20, s15, s21, $0xb8;
	[tilespmem:$0x14A00] =	vst v63  }
0x105: {  	s28 =	simm.s32 $0xDA00;
	s7 =	simm.s32 $0x680  }
0x106: {  	[tilespmem:s28], [sflag:$0x4] =	stream.indirect.gather [hbm4b:s3+s21], $0x20, s7, s21, $0xb8;
	[tilespmem:$0x14A00] =	vst v63  }
0x107: {  	s7 =	simm.s32 $0x700;
	s28 =	simm.s32 $0xEA00  }
0x108: {  	[tilespmem:s28], [sflag:$0x4] =	stream.indirect.gather [hbm4b:s3+s21], $0x20, s7, s21, $0xb8;
	[tilespmem:$0x14A00] =	vst v63  }
0x109: {  	s7 =	simm.s32 $0x780;
	s28 =	simm.s32 $0xFA00  }
0x10a: {  	[tilespmem:s28], [sflag:$0x4] =	stream.indirect.gather [hbm4b:s3+s21], $0x20, s7, s21, $0xb8;
	[tilespmem:$0x14A00] =	vst v63  }
0x10b: {  	_ =	swait.ge [sflag:s19], $0x4000  }
0x10c: {  	[sflag:s19] =	ssyncset.done $0x0  }
0x10d: {  	s28 =	simm.s32 $0x10A00;
	s7 =	rddreg [dreg:$0x3];
	[sflag:s19] =	ssyncadd.s32 $0xFFFFC000  }
0x10e: {  	[hbm4b:s1+s2] =	stream.linear.scatter [tilespmem:s28], [sflag:$0xA], $0x4000, $0x38;
	[tilespmem:$0x14A00] =	vst v63  }
0x10f: {  	s26 =	simm.s32 $0x800;
	s6 =	sadd.s32 s6, s7  }
0x110: {  	[tilespmem:s26], [sflag:$0xB] =	stream.linear.gather [hbm4b:s6+s2], $0x200, $0x38;
	[tilespmem:$0x14A00] =	vst v63  }
0x111: {  	_ =	swait.ge [sflag:s20], $0x200  }
0x112: {  	[sflag:s20] =	ssyncset.done $0x0  }
0x113: {  	p0 =	sne.s32 s24, $0xA00;
	s29 =	simm.s32 $0xA00;
	[sflag:s20] =	ssyncadd.s32 $0xFFFFFE00  }
0x114: {  	s24 =	sadd.s32 $0x140, s24;
	s31 =	sadd.s32 $0x2800, s31;
	_ =	swait.ge [sflag:s23], $0x4000  }
0x115: {  	s8 =	simm.s32 $0x4A00;
	s25 =	sadd.s32 $0x2800, s25;
	[sflag:s23] =	ssyncset.done $0x0  }
0x116: {  	s22 =	simm.s32 $0x8A00;
	s5 =	sadd.s32 $0x2800, s5;
	[sflag:s23] =	ssyncadd.s32 $0xFFFFC000  }
0x117: {  	[tilespmem:s28], [sflag:$0x5] =	stream.indirect.gather [hbm4b:s3+s21], $0x20, s26, s21, $0xb8;
	[tilespmem:$0x14A00] =	vst v63  }
.Ltmp0:
0x118: {  	s16 =	simm.s32 $0xCA00;
	s0 =	sadd.s32 $0x2800, s0;
	(pc) =	sbr.rel @p0 .LBB2_2-.Ltmp0, $4  }
0x119: {  	s7 =	simm.s32 $0x880;
	s1 =	sadd.s32 $0x2800, s1;
	s28 =	simm.s32 $0x11A00  }
0x11a: {  	[tilespmem:s28], [sflag:$0x5] =	stream.indirect.gather [hbm4b:s3+s21], $0x20, s7, s21, $0xb8;
	[tilespmem:$0x14A00] =	vst v63  }
0x11b: {  	s6 =	simm.s32 $0x10A00;
	s7 =	simm.s32 $0x900;
	s28 =	simm.s32 $0x12A00  }
0x11c: {  	[tilespmem:s28], [sflag:$0x5] =	stream.indirect.gather [hbm4b:s3+s21], $0x20, s7, s21, $0xb8;
	[tilespmem:$0x14A00] =	vst v63  }
0x11d: {  	s0 =	simm.s32 $0x980;
	s1 =	simm.s32 $0x13A00  }
0x11e: {  	[tilespmem:s1], [sflag:$0x5] =	stream.indirect.gather [hbm4b:s3+s21], $0x20, s0, s21, $0xb8;
	[tilespmem:$0x14A00] =	vst v63  }
0x11f: {  	_ =	swait.ge [sflag:s10], $0x4000  }
0x120: {  	[sflag:s10] =	ssyncset.done $0x0  }
0x121: {  	s5 =	rddreg [dreg:$0xd];
	[sflag:s10] =	ssyncadd.s32 $0xFFFFC000  }
0x122: {  	[hbm4b:s5+s2] =	stream.linear.scatter [tilespmem:s29], [sflag:$0x6], $0x4000, $0x38;
	[tilespmem:$0x14A00] =	vst v63  }
0x123: {  	_ =	swait.ge [sflag:s11], $0x4000  }
0x124: {  	[sflag:s11] =	ssyncset.done $0x0  }
0x125: {  	s7 =	rddreg [dreg:$0xe];
	[sflag:s11] =	ssyncadd.s32 $0xFFFFC000  }
0x126: {  	[hbm4b:s7+s2] =	stream.linear.scatter [tilespmem:s8], [sflag:$0x7], $0x4000, $0x38;
	[tilespmem:$0x14A00] =	vst v63  }
0x127: {  	_ =	swait.ge [sflag:s13], $0x4000  }
0x128: {  	[sflag:s13] =	ssyncset.done $0x0  }
0x129: {  	s9 =	rddreg [dreg:$0xf];
	[sflag:s13] =	ssyncadd.s32 $0xFFFFC000  }
0x12a: {  	[hbm4b:s9+s2] =	stream.linear.scatter [tilespmem:s22], [sflag:$0x8], $0x4000, $0x38;
	[tilespmem:$0x14A00] =	vst v63  }
0x12b: {  	_ =	swait.ge [sflag:s17], $0x4000  }
0x12c: {  	[sflag:s17] =	ssyncset.done $0x0  }
0x12d: {  	s24 =	rddreg [dreg:$0x10];
	[sflag:s17] =	ssyncadd.s32 $0xFFFFC000  }
0x12e: {  	[hbm4b:s24+s2] =	stream.linear.scatter [tilespmem:s16], [sflag:$0x9], $0x4000, $0x38;
	[tilespmem:$0x14A00] =	vst v63  }
0x12f: {  	_ =	swait.ge [sflag:s19], $0x4000  }
0x130: {  	[sflag:s19] =	ssyncset.done $0x0  }
0x131: {  	s25 =	rddreg [dreg:$0x11];
	[sflag:s19] =	ssyncadd.s32 $0xFFFFC000  }
0x132: {  	[hbm4b:s25+s2] =	stream.linear.scatter [tilespmem:s6], [sflag:$0xA], $0x4000, $0x38;
	[tilespmem:$0x14A00] =	vst v63  }
0x133: {  	_ =	swait.ge [sflag:s4], $0x4000  }
0x134: {  	[sflag:s4] =	ssyncset.done $0x0  }
0x135: {  	[sflag:s4] =	ssyncadd.s32 $0xFFFFC000  }
0x136: {  	_ =	swait.ge [sflag:s12], $0x4000  }
0x137: {  	[sflag:s12] =	ssyncset.done $0x0  }
0x138: {  	[sflag:s12] =	ssyncadd.s32 $0xFFFFC000  }
0x139: {  	_ =	swait.ge [sflag:s14], $0x4000  }
0x13a: {  	[sflag:s14] =	ssyncset.done $0x0  }
0x13b: {  	[sflag:s14] =	ssyncadd.s32 $0xFFFFC000  }
0x13c: {  	_ =	swait.ge [sflag:s18], $0x4000  }
0x13d: {  	[sflag:s18] =	ssyncset.done $0x0  }
0x13e: {  	[sflag:s18] =	ssyncadd.s32 $0xFFFFC000  }
0x13f: {  	_ =	swait.ge [sflag:s23], $0x4000  }
0x140: {  	s28 =	rddreg [dreg:$0x18]  }
0x141: {  	s29 =	rddreg [dreg:$0x12];
	s1 =	sadd.s32 $0x1, s28  }
0x142: {  	p0 =	sne.s32 s1, s29  }
.Ltmp1:
0x143: {  	_ = 	snop;
	(pc) =	sbr.rel @p0 .LBB2_1-.Ltmp1, $4  }
0x144: {  	s31 =	simm.s32 $0x5A00;
	s5 =	simm.s32 $0x100  }
0x145: {  	s7 =	simm.s32 $0x180;
	s22 =	simm.s32 $0x200;
	s24 =	simm.s32 $0x3A00  }
0x146: {  	s6 =	simm.s32 $0x2A00;
	s25 =	simm.s32 $0x280;
	[sflag:s23] =	ssyncset.done $0x0  }
0x147: {  	[sflag:s23] =	ssyncadd.s32 $0xFFFFC000;
	[dreg:$0x18] =	wrdreg s1;
	s1 =	simm.s32 $0x1A00  }
0x148: {  	_ =	sfence.sel $0x180000  }
0x149: {  	[bflag:$0x0] =	sbarrier.arrive $0xFFFF  }
0x14a: {  	_ =	strace $0x90000047  }
0x14b: {  	s0 =	stileid.u32;
	[bflag:$0x2] =	sbarrier.arrive $0xFFFF  }
0x14c: {  	p0 =	sne.s32 s0, $0x0;
	s0 =	rddreg [dreg:$0x2]  }
0x14d: {  	s0 =	sadd.s32 @!p0 $0x100000, s0  }
0x14e: {  	[sflag:s0] =	ssyncadd.tile.s32 @!p0 $0x1;
	_ =	shalt  }
.Lfunc_end2:
_tile_overlayer_lowered:
.L_overlay_start_2:
0x14f: {  	(tag) =	ssettag $0x2  }
0x150: {  	s0 =	rddreg [dreg:$0x0];
	s2 =	stileid.u32  }
0x151: {  	s1 =	rddreg [dreg:$0x1];
	p0 =	sne.s32 s2, $0x0  }
0x152: {  	s3 =	rddreg [dreg:$0x2];
	[bflag:$0x3] =	sbarrier.arrive $0xFFFF;
	s2 =	simm.s32 @!p0 $0x1C0B  }
0x153: {  	[timem:s3], [sflag:s2] =	dma.local @!p0 [hbm:s0], s1  }
0x154: {  	s0 =	simm.s32 @!p0 $0xB  }
0x155: {  	_ =	swait.ge @!p0 [sflag:s0], s1  }
0x156: {  	s1 =	ssub.s32 @!p0 $0x0, s1;
	[sflag:s0] =	ssyncset.done @!p0 $0x0  }
0x157: {  	[sflag:s0] =	ssyncadd.s32 @!p0 s1  }
0x158: {  	[bflag:$0x3] =	sbarrier.arrive $0xFFFF  }
0x159: {  	_ =	shalt  }

// kernel: sparse-core-data-format-call.cloned.1.call-start
scs
called_computation_lowered:
.L_overlay_start_0:
0x0: {  	s2 =	sld [smem:$0x3FD9]  }
0x1: {  	s3 =	sld [smem:$0x3FFE];
	_ =	sdelay $0x1  }
0x2: {  	s1 =	srdreg.scid  }
0x3: {  	s0 =	sand.u32 $0x1, s1  }
0x4: {  	s18 =	sshll.u32 s0, $0xA;
	s2 =	sadd.s32 s3, s2  }
0x5: {  	s2 =	sadd.s32 s2, s18  }
0x6: {  	[smem:$0x3FC6] =	sst s2  }
0x7: {  	_ = 	snop  }
0x8: {  	s2 =	sld [smem:$0x3FD0];
	(tm) =	ssettm $0x1  }
0x9: {  	s19 =	sld [smem:$0x3FFB];
	_ =	sdelay $0x3  }
0xa: {  	_ =	strace s19  }
0xb: {  	s3 =	sld [smem:$0x3FFC];
	_ =	sdelay $0x3  }
0xc: {  	_ =	strace s3  }
0xd: {  	s3 =	sld [smem:$0x3FFD];
	_ =	sdelay $0x3  }
0xe: {  	_ =	strace s3  }
0xf: {  	_ =	strace $0x8FFFFFFF  }
0x10: {  	s20 =	sld [smem:$0x3FDB];
	_ =	sdelay $0x1  }
0x11: {  	s4 =	simm.s32 $_scs_section_size  }
0x12: {  	s5 =	simm.s32 $_size__tile_overlayer_lowered;
	s6 =	simm.s32 $_tile_overlayer_lowered  }
0x13: {  	s23 =	simm.s32 $0x1BFF;
	s22 =	sshll.u32 s6, $0x1;
	s3 =	sadd.s32 s4, s20  }
0x14: {  	s7 =	simm.s32 $0x0;
	s21 =	sshll.u32 s5, $0x1;
	s5 =	sadd.s32 s22, s3  }
0x15: {  	[timem:s7], [sflag:s23] =	dma.local [hbm:s5], s21  }
0x16: {  	_ =	swait.ge [sflag:s23], s21  }
0x17: {  	s4 =	ssub.s32 $0x0, s21;
	[sflag:s23] =	ssyncset.done $0x0  }
0x18: {  	[sflag:s23] =	ssyncadd.s32 s4;
	_ =	sdelay $0x1  }
0x19: {  	s24 =	simm.s32 $0x1B8B  }
0x1a: {  	_ =	swait.ge [sflag:s24], $0x1  }
0x1b: {  	[sflag:s24] =	ssyncset.done $0x0  }
0x1c: {  	s26 =	simm.s32 $0x1B8E;
	s25 =	sld [smem:$0x3FFE];
	[sflag:s24] =	ssyncadd.s32 $0xFFFFFFFF  }
0x1d: {  	s27 =	simm.s32 $execute0_lowered;
	[smem:$0x3FD2] =	sst s26  }
0x1e: {  	s5 =	sshll.u32 s27, $0x1;
	_ =	strace $0x80000049;
	[dreg:$0x1] =	wrdreg $0xFFFFFFFF  }
0x1f: {  	s28 =	simm.s32 $_size_execute0_lowered;
	s3 =	sadd.s32 s3, s5;
	[dreg:$0x0] =	wrdreg $0x0  }
0x20: {  	s5 =	sshll.u32 s28, $0x1;
	[dreg:$0x2] =	wrdreg s3  }
0x21: {  	[dreg:$0x3] =	wrdreg s5  }
0x22: {  	[dreg:$0x4] =	wrdreg $0xC0  }
0x23: {  	_ =	task [dreg:s7], $0x5FFFF  }
0x24: {  	[dreg:$0x1] =	wrdreg $0xFFFFFFFF  }
0x25: {  	[dreg:$0x0] =	wrdreg $0x60  }
0x26: {  	[dreg:$0x2] =	wrdreg s25  }
0x27: {  	[dreg:$0x3] =	wrdreg s2  }
0x28: {  	[dreg:$0x4] =	wrdreg $0x9  }
0x29: {  	_ =	task.clear_ibuf [dreg:s7], $0x5FFFF;
	_ =	strace $0x90000049  }
0x2a: {  	s29 =	simm.s32 $0x9;
	_ =	strace $0x8000004B  }
0x2b: {  	_ =	swait.ge [sflag:s29], $0x1  }
0x2c: {  	[sflag:s29] =	ssyncadd.s32 $0xFFFFFFFF  }
0x2d: {  	_ =	strace $0x9000004B  }
0x2e: {  	_ =	sfence  }
0x2f: {  	s30 =	sld [smem:$0x0];
	_ =	sdelay $0x2  }
0x30: {  	s31 =	sshll.u32 s1, $0xD;
	s1 =	sshrl.u32 s1, $0x2  }
0x31: {  	s3 =	sand.u32 $0x4000, s31;
	s1 =	sadd.s32 s1, s30  }
0x32: {  	s0 =	sor.u32 s3, s0;
	s1 =	sshll.u32 s1, $0x11  }
0x33: {  	s0 =	sor.u32 s1, s0  }
0x34: {  	s0 =	sadd.s32 $0x8F2B, s0  }
0x35: {  	[sflag:s0] =	ssyncadd.remote.s32 $0x1  }
0x36: {  	_ =	sfence.sel $0xFFFF  }
0x37: {  	[dreg:$0x0] =	wrdreg $0xFFFFFFFF;
	(pc) =	sbr.abs _section_cstart, $3  }
0x38: {  	[dreg:$0x1] =	wrdreg $0xFFFFFFFF  }
0x39: {  	_ =	task.clear_ibuf [dreg:s7], $0x2FFFF;
	_ =	strace $0x9FFFFFFF  }
0x3a: {  	(tm) =	ssettm $0x7FFFFFFF  }
0x3b: {  	_ =	shalt  }
tec
execute0_lowered:
.L_overlay_start_1:
0x0: {  	(tag) =	ssettag $0x1  }
0x1: {  	s0 =	srdreg.scid  }
0x2: {  	s1 =	sshll.u32 s0, $0x4  }
0x3: {  	s0 =	stileid.u32;
	s1 =	sand.u32 $0x10, s1  }
0x4: {  	s1 =	sor.u32 s0, s1  }
0x5: {  	s6 =	rddreg [dreg:$0x0];
	s4 =	simm.s32 $0x1;
	s2 =	sshll.u32 s1, $0x7  }
0x6: {  	s7 =	simm.s32 $0x2;
	s12 =	simm.s32 $0x0;
	s1 =	ssub.s32 $0x1000, s2  }
0x7: {  	s8 =	simm.s32 $0x8000;
	s13 =	simm.s32 $0x0;
	s3 =	sand.u32 $0xF80, s1  }
0x8: {  	s9 =	simm.s32 $0x0;
	s5 =	sshrl.u32 s1, $0xC;
	p0 =	sne.s32 s3, $0x0  }
.Ltmp0:
0x9: {  	s1 =	rddreg [dreg:$0x2];
	s4 =	simm.s32 @!p0 $0x0;
	(pc) =	sbr.rel .LBB1_1-.Ltmp0, $4  }
0xa: {  	s11 =	simm.s32 $0x0;
	s3 =	rddreg [dreg:$0x1];
	s5 =	sadd.s32 s4, s5  }
0xb: {  	_ =	strace $0x8000004A;
	s4 =	simm.s32 $0x1;
	s5 =	smul.u32 $0xC8, s5  }
0xc: {  	s6 =	sadd.s32 $0xA00, s6;
	s10 =	smov.u32 s2;
	[sflag:s4] =	ssyncpa.u1 $0x0  }
0xd: {  	p0 =	por $0x0, $0x0;
	[sflag:s7] =	ssyncpa.u1 $0x0;
	s7 =	sor.u32 $0x1, s5  }
.LBB1_4:
0xe: {  	s16 =	sshll.u32 s13, $0x3;
	s17 =	sand.u32 $0x78, s13  }
0xf: {  	s30 =	sand.u32 $0x3E00, s13;
	s12 =	sshll.u32 s12, $0xE;
	s16 =	sand.u32 $0xC00, s16  }
0x10: {  	s31 =	sand.u32 $0x7, s13;
	s16 =	sor.u32 s17, s16;
	s17 =	sadd.s32 s3, s30  }
0x11: {  	s13 =	sshll.u32 s31, $0x12;
	s16 =	sshrl.u32 s16, $0x3;
	s12 =	sadd.s32 s12, s17  }
0x12: {  	[tilespmem:s15+$0x0 ss:$0x81] =	vst.msk $0xffff, v0;
	s13 =	sor.u32 $0x400, s13;
	s12 =	sadd.s32 s16, s12  }
0x13: {  	[hbm4b:s12+s13] =	stream.strided.scatter [tilespmem:s14], [sflag:$0x2], $0x1000, s8, s13, $0x20;
	[tilespmem:$0x4040] =	vst v63  }
.LBB1_5:
0x14: {  	s14 =	sadd.s32 $0x1, s9  }
0x15: {  	s12 =	sadd.s32 $0x1000, s10;
	s16 =	smov.u32 s10;
	p2 =	sgt.s32 s14, $0xC7  }
0x16: {  	s16 =	smov.u32 @p2 s12  }
0x17: {  	s14 =	simm.s32 @p2 $0x0;
	p2 =	sgt.s32 s16, $0xFFF  }
0x18: {  	s16 =	smov.u32 @p2 s2;
	p2 =	sne.s32 s11, s7  }
.Ltmp1:
0x19: {  	p1 =	slt.u32 s11, $0x2;
	(pc) =	sbr.rel @!p2 .LBB1_6-.Ltmp1, $4  }
0x1a: {  	s15 =	simm.s32 @!p1 $0x2  }
0x1b: {  	s13 =	smov.u32 s10;
	p0 =	por !p0, !p0;
	_ =	swait.ge @!p1 [sflag:s15], $0x1000  }
0x1c: {  	s12 =	smov.u32 s9;
	[sflag:s15] =	ssyncset.done @!p1 $0x0;
	s9 =	smov.u32 s14  }
0x1d: {  	s11 =	sadd.s32 $0x1, s11;
	[sflag:s15] =	ssyncadd.s32 @!p1 $0xFFFFF000;
	s10 =	smov.u32 s16  }
.LBB1_1:
0x1e: {  	p1 =	sge.u32 s11, s5  }
0x1f: {  	s14 =	sand.u32 @!p1 $0x1FFFFFF, s9  }
0x20: {  	s15 =	smulhi.u32 @!p1 $0x147AE15, s14;
	_ =	sdelay $0x1  }
0x21: {  	s15 =	smul.u32 @!p1 $0xC8, s15  }
0x22: {  	s16 =	sxor.u32 @!p1 $0xFFFFFFFF, s11;
	s17 =	smul.u32 @!p1 $0xC80, s10  }
0x23: {  	s31 =	sadd.s32 $0xFFFFFFFF, s11;
	s16 =	sshll.u32 @!p1 s16, $0xC;
	s14 =	ssub.s32 @!p1 s14, s15  }
0x24: {  	s15 =	sand.u32 @!p1 $0x1000, s16;
	s16 =	sadd.s32 @!p1 s6, s17;
	s14 =	sshll.u32 @!p1 s14, $0x4  }
0x25: {  	s17 =	simm.s32 @!p1 $0x6400;
	s14 =	sadd.s32 @!p1 s14, s16;
	s16 =	simm.s32 @!p1 $0x20  }
0x26: {  	[tilespmem:s15], [sflag:$0x1] =	stream.strided.gather @!p1 [hbm4b:s14+s16], $0x1000, s17, s16, $0x38;
	[tilespmem:$0x4040] =	vst v63  }
0x27: {  	p1 =	sge.u32 s31, s5  }
.Ltmp2:
0x28: {  	_ = 	snop;
	(pc) =	sbr.rel @p1 .LBB1_5-.Ltmp2, $1  }
0x29: {  	_ =	sdelay $0x3  }
0x2a: {  	s14 =	simm.s32 $0x1  }
0x2b: {  	_ =	swait.ge [sflag:s4], $0x1000;
	s14 =	simm.s32 @!p0 $0x0  }
0x2c: {  	[sflag:s4] =	ssyncset.done $0x0;
	s15 =	sshll.u32 s14, $0xC  }
0x2d: {  	[sflag:s4] =	ssyncadd.s32 $0xFFFFF000;
	s18 =	sor.u32 $0x10, s15  }
0x2e: {  	s14 =	smul.u32 $0x4080, s14;
	v1 =	vld [tilespmem:s18+$0x0]  }
0x2f: {  	s30 =	sand.u32 $0x1, s11;
	v0 =	vld [tilespmem:s18+$0xFFFFFFF0]  }
0x30: {  	s15 =	smul.u32 $0x4080, s30;
	s14 =	sshrl.u32 s14, $0x2  }
0x31: {  	s16 =	sor.u32 $0x2000, s14  }
0x32: {  	s31 =	sshrl.u32 s15, $0x2;
	s15 =	sadd.s32 $0x0, s16  }
0x33: {  	s17 =	simm.s32 $0x4;
	s18 =	sadd.s32 $0x20, s18;
	s14 =	sor.u32 $0x2000, s31;
	[tilespmem:s15+$0x810 ss:$0x81] =	vst.msk $0xffff, v1  }
.LBB1_3:
0x34: {  	v1 =	vld [tilespmem:s18+$0x0];
	p1 =	sne.s32 s17, $0x1FC;
	[tilespmem:s15+$0x0 ss:$0x81] =	vst.msk $0xffff, v0;
	s15 =	smov.u32 s17;
	s17 =	sadd.s32 $0x4, s17  }
.Ltmp3:
0x35: {  	v0 =	vld [tilespmem:s18+$0xFFFFFFF0];
	(pc) =	sbr.rel @p1 .LBB1_3-.Ltmp3, $4  }
0x36: {  	_ = 	snop  }
0x37: {  	s15 =	sshra.s32 s15, $0x2  }
0x38: {  	s15 =	sadd.s32 s15, s16  }
0x39: {  	s18 =	sadd.s32 $0x20, s18;
	[tilespmem:s15+$0x810 ss:$0x81] =	vst.msk $0xffff, v1  }
.Ltmp4:
0x3a: {  	_ = 	snop;
	(pc) =	sbr.rel .LBB1_4-.Ltmp4, $1  }
0x3b: {  	_ =	sdelay $0x3  }
.LBB1_6:
0x3c: {  	_ =	sfence.sel $0x180000  }
0x3d: {  	s2 =	simm.s32 $0x1;
	[bflag:$0x0] =	sbarrier.arrive $0xFFFF  }
0x3e: {  	s31 =	simm.s32 $0x2;
	[sflag:s2] =	ssyncpa.u1 $0x1  }
0x3f: {  	[sflag:s31] =	ssyncpa.u1 $0x1  }
0x40: {  	p0 =	sne.s32 s0, $0x0;
	_ =	strace $0x9000004A  }
0x41: {  	s0 =	sadd.s32 @!p0 $0x100000, s1;
	[bflag:$0x2] =	sbarrier.arrive $0xFFFF  }
0x42: {  	[sflag:s0] =	ssyncadd.tile.s32 @!p0 $0x1;
	_ =	shalt  }
.Lfunc_end1:
_tile_overlayer_lowered:
.L_overlay_start_2:
0x43: {  	(tag) =	ssettag $0x2  }
0x44: {  	s0 =	rddreg [dreg:$0x0];
	s2 =	stileid.u32  }
0x45: {  	s1 =	rddreg [dreg:$0x1];
	p0 =	sne.s32 s2, $0x0  }
0x46: {  	s3 =	rddreg [dreg:$0x2];
	[bflag:$0x3] =	sbarrier.arrive $0xFFFF;
	s2 =	simm.s32 @!p0 $0x1C01  }
0x47: {  	[timem:s3], [sflag:s2] =	dma.local @!p0 [hbm:s0], s1  }
0x48: {  	s0 =	simm.s32 @!p0 $0x1  }
0x49: {  	_ =	swait.ge @!p0 [sflag:s0], s1  }
0x4a: {  	s1 =	ssub.s32 @!p0 $0x0, s1;
	[sflag:s0] =	ssyncset.done @!p0 $0x0  }
0x4b: {  	[sflag:s0] =	ssyncadd.s32 @!p0 s1  }
0x4c: {  	[bflag:$0x3] =	sbarrier.arrive $0xFFFF  }
0x4d: {  	_ =	shalt  }

</sc_bundles>
